<compile_context>
chip_gen: v7x
topology: tpu7x:2x2x1
jax: 0.10.2.dev20260603
libtpu: 0.0.44.dev20260713+nightly
codegen_flags: <defaults>
</compile_context>

<pallas_src>
import functools

import jax
import jax.numpy as jnp
from jax import lax
from jax.experimental import pallas as pl
from jax.experimental.pallas import tpu as pltpu
from jax.experimental.pallas import tpu_sc as plsc

_E = 16
_K = 2
_D = 2048
_TB = 1024
_NW = 32
_L = 16


def _logits_block(x_ref, wt_ref, b_ref, logits_ref):
    logits = jnp.dot(x_ref[...], wt_ref[...],
                     preferred_element_type=jnp.float32) + b_ref[...]
    logits_ref[...] = logits.T


def _sc_router(logits_hbm, probs_hbm, wts_hbm, idx_hbm, lt_v, pt_v, wts_v, idx_v):
    tpw = logits_hbm.shape[1] // _NW
    wid = lax.axis_index("s") * 2 + lax.axis_index("c")
    base = wid * tpw
    pltpu.sync_copy(logits_hbm.at[:, pl.ds(base, tpw)], lt_v)

    def group(g, _):
        ds = pl.ds(g * _L, _L)
        l = [lt_v[e, ds] for e in range(_E)]
        m = l[0]
        for e in range(1, _E):
            m = jnp.maximum(m, l[e])
        ex = [jnp.exp(l[e] - m) for e in range(_E)]
        s = ex[0]
        for e in range(1, _E):
            s = s + ex[e]
        r = 1.0 / s
        p = [ex[e] * r for e in range(_E)]
        for e in range(_E):
            pt_v[e, ds] = p[e]

        m1 = p[0]
        for e in range(1, _E):
            m1 = jnp.maximum(m1, p[e])
        i1 = jnp.full((_L,), _E, jnp.int32)
        for e in range(_E - 1, -1, -1):
            i1 = jnp.where(p[e] == m1, jnp.full((_L,), e, jnp.int32), i1)
        ninf = jnp.full((_L,), -jnp.inf, jnp.float32)
        m2 = ninf
        for e in range(_E):
            m2 = jnp.maximum(m2, jnp.where(i1 == e, ninf, p[e]))
        i2 = jnp.full((_L,), _E, jnp.int32)
        for e in range(_E - 1, -1, -1):
            i2 = jnp.where((p[e] == m2) & (i1 != e),
                           jnp.full((_L,), e, jnp.int32), i2)
        rs = 1.0 / (m1 + m2)
        wts_v[0, ds] = m1 * rs
        wts_v[1, ds] = m2 * rs
        idx_v[0, ds] = i1
        idx_v[1, ds] = i2
        return ()

    lax.fori_loop(0, tpw // _L, group, (), unroll=False)

    pltpu.sync_copy(pt_v, probs_hbm.at[:, pl.ds(base, tpw)])
    pltpu.sync_copy(wts_v, wts_hbm.at[:, pl.ds(base, tpw)])
    pltpu.sync_copy(idx_v, idx_hbm.at[:, pl.ds(base, tpw)])


@functools.partial(jax.jit, static_argnames=("interpret",))
def kernel(inputs, W, b, interpret=False):
    B, S, D = inputs.shape
    T = B * S
    x = inputs.reshape(T, D)
    wt = W.T
    b2 = b.reshape(1, _E)

    logits_t = pl.pallas_call(
        _logits_block,
        grid=(T // _TB,),
        in_specs=[
            pl.BlockSpec((_TB, D), lambda i: (i, 0)),
            pl.BlockSpec((D, _E), lambda i: (0, 0)),
            pl.BlockSpec((1, _E), lambda i: (0, 0)),
        ],
        out_specs=pl.BlockSpec((_E, _TB), lambda i: (0, i)),
        out_shape=jax.ShapeDtypeStruct((_E, T), jnp.float32),
        compiler_params=pltpu.CompilerParams(
            dimension_semantics=("parallel",),
        ),
        interpret=interpret,
    )(x, wt, b2)

    tpw = T // _NW
    mesh = plsc.VectorSubcoreMesh(core_axis_name="c", subcore_axis_name="s")
    probs_t, wts_t, idx_t = pl.kernel(
        _sc_router,
        out_type=[
            jax.ShapeDtypeStruct((_E, T), jnp.float32),
            jax.ShapeDtypeStruct((_K, T), jnp.float32),
            jax.ShapeDtypeStruct((_K, T), jnp.int32),
        ],
        mesh=mesh,
        scratch_types=[
            pltpu.VMEM((_E, tpw), jnp.float32),
            pltpu.VMEM((_E, tpw), jnp.float32),
            pltpu.VMEM((_K, tpw), jnp.float32),
            pltpu.VMEM((_K, tpw), jnp.int32),
        ],
    )(logits_t)

    return (logits_t.T.reshape(B, S, _E), probs_t.T.reshape(B, S, _E),
            wts_t.T.reshape(B, S, _K), idx_t.T.reshape(B, S, _K))

# --- scband reference (transcript-rebuilt; emitter-appended) ---
"""Pipeline reference for scband-attentive-router-16226386444685 (READ-ONLY COPY).

The authoritative reference and input builder live on the scoring server;
editing this copy changes nothing except your own understanding.
"""

import jax, jax.numpy as jnp
import numpy as np

NUM_EXPERTS = 16
TOP_K = 2
D_MODEL = 2048


def setup_inputs(seed: int = 0) -> dict:
    key = jax.random.key(seed)
    k1, k2 = jax.random.split(key, 2)
    inputs = jax.random.normal(k1, (4, 4096, D_MODEL), dtype=jnp.float32)
    # router Linear(input_dim -> num_experts); orthogonal init with gain 0.1
    # approximated by scaled gaussian (orthogonality does not change the math pattern)
    W = jax.random.normal(k2, (NUM_EXPERTS, D_MODEL), dtype=jnp.float32) * (0.1 / np.sqrt(D_MODEL))
    b = jnp.zeros((NUM_EXPERTS,), dtype=jnp.float32)
    return {"inputs": inputs, "W": W, "b": b}


def reference(inputs, W, b):
    # router logits: [B, S, E]
    router_logits = jnp.einsum('bsd,ed->bse', inputs, W) + b
    # eval mode: no noisy routing, dropout is a no-op (never applied in forward anyway)
    router_probs = jax.nn.softmax(router_logits, axis=-1)
    top_k_probs, top_k_indices = jax.lax.top_k(router_probs, TOP_K)
    # use_softmax=True branch: renormalize top-k probs
    top_k_weights = top_k_probs / jnp.sum(top_k_probs, axis=-1, keepdims=True)
    return (router_logits, router_probs, top_k_weights, top_k_indices)

if __name__ == "__main__":
    import jax
    _d = setup_inputs()
    print(jax.jit(kernel)(*tuple(_d.values())))

</pallas_src>

<mosaic_0001>
#map = affine_map<(d0, d1) -> (0, 0)>
module attributes {stable_mosaic.version = 14 : i64} {
  func.func @_sc_router(%arg0: i32, %arg1: i32, %arg2: memref<16x16384xf32, #tpu.memory_space<hbm>>, %arg3: memref<16x16384xf32, #tpu.memory_space<hbm>>, %arg4: memref<2x16384xf32, #tpu.memory_space<hbm>>, %arg5: memref<2x16384xi32, #tpu.memory_space<hbm>>, %arg6: memref<16x512xf32, #tpu.memory_space<vmem>>, %arg7: memref<16x512xf32, #tpu.memory_space<vmem>>, %arg8: memref<2x512xf32, #tpu.memory_space<vmem>>, %arg9: memref<2x512xi32, #tpu.memory_space<vmem>>) attributes {dimension_semantics = [#tpu.dimension_semantics<core_parallel>, #tpu.dimension_semantics<subcore_parallel>], iteration_bounds = array<i64: 2, 16>, scalar_prefetch = 0 : i64, scratch_operands = 4 : i64, tpu.core_type = #tpu.core_type<sc_vector_subcore>, window_params = [{transform_indices = #map}, {transform_indices = #map}, {transform_indices = #map}, {transform_indices = #map}]} {
    %mul3A = arith.constant 2 : i32
    %mul3A_0 = arith.muli %arg1, %mul3A : i32
    %add3A = arith.addi %mul3A_0, %arg0 : i32
    %mul3A_1 = arith.constant 512 : i32
    %mul3A_2 = arith.muli %add3A, %mul3A_1 : i32
    "tpu.region"() ({
      %run_scoped3A = tpu.sem_alloc : memref<!tpu.dma_semaphore, #tpu.memory_space<semaphore_mem>>
      %dma_start3A = arith.constant 0 : i32
      %dma_start3A_7 = tpu.memref_slice %arg2[%dma_start3A, %mul3A_2] : memref<16x16384xf32, #tpu.memory_space<hbm>> -> memref<16x512xf32, #tpu.memory_space<hbm>>
      %dma_start3A_8 = arith.constant 0 : i32
      %dma_start3A_9 = tpu.memref_slice %arg2[%dma_start3A_8, %mul3A_2] : memref<16x16384xf32, #tpu.memory_space<hbm>> -> memref<16x512xf32, #tpu.memory_space<hbm>>
      tpu.enqueue_dma source(%dma_start3A_9 : memref<16x512xf32, #tpu.memory_space<hbm>>) target(%arg6 : memref<16x512xf32, #tpu.memory_space<vmem>>) target_semaphore(%run_scoped3A : memref<!tpu.dma_semaphore, #tpu.memory_space<semaphore_mem>>)
      %dma_wait3A = arith.constant 0 : i32
      %dma_wait3A_10 = tpu.memref_slice %arg2[%dma_wait3A, %mul3A_2] : memref<16x16384xf32, #tpu.memory_space<hbm>> -> memref<16x512xf32, #tpu.memory_space<hbm>>
      %dma_wait3A_11 = arith.constant 0 : i32
      %dma_wait3A_12 = tpu.memref_slice %arg2[%dma_wait3A_11, %mul3A_2] : memref<16x16384xf32, #tpu.memory_space<hbm>> -> memref<16x512xf32, #tpu.memory_space<hbm>>
      tpu.wait_dma2 semaphore(%run_scoped3A : memref<!tpu.dma_semaphore, #tpu.memory_space<semaphore_mem>>) src(%dma_wait3A_12 : memref<16x512xf32, #tpu.memory_space<hbm>>) dst(%arg6 : memref<16x512xf32, #tpu.memory_space<vmem>>)
      tpu.yield
    }) : () -> ()
    %scan3A = arith.constant 0 : i32
    %scan3A_3 = arith.constant 32 : i32
    %scan3A_4 = arith.addi %scan3A, %scan3A_3 : i32
    %scan3A_5 = arith.constant 1 : i32
    scf.for %scan3A_7 = %scan3A to %scan3A_4 step %scan3A_5  : i32 {
      %mul3A_8 = arith.constant 16 : i32
      %mul3A_9 = arith.muli %scan3A_7, %mul3A_8 : i32
      %get3A = arith.constant 0 : i32
      %get3A_10 = arith.index_cast %get3A : i32 to index
      %get3A_11 = arith.index_cast %mul3A_9 : i32 to index
      %get3A_12 = tpu.vector_load %arg6[%get3A_10, %get3A_11] {strides = array<i32>} : memref<16x512xf32, #tpu.memory_space<vmem>>, vector<1x16xf32>,
      %get3A_13 = vector.shape_cast %get3A_12 : vector<1x16xf32> to vector<16xf32>
      %get3A_14 = arith.constant 1 : i32
      %get3A_15 = arith.index_cast %get3A_14 : i32 to index
      %get3A_16 = arith.index_cast %mul3A_9 : i32 to index
      %get3A_17 = tpu.vector_load %arg6[%get3A_15, %get3A_16] {strides = array<i32>} : memref<16x512xf32, #tpu.memory_space<vmem>>, vector<1x16xf32>,
      %get3A_18 = vector.shape_cast %get3A_17 : vector<1x16xf32> to vector<16xf32>
      %get3A_19 = arith.constant 2 : i32
      %get3A_20 = arith.index_cast %get3A_19 : i32 to index
      %get3A_21 = arith.index_cast %mul3A_9 : i32 to index
      %get3A_22 = tpu.vector_load %arg6[%get3A_20, %get3A_21] {strides = array<i32>} : memref<16x512xf32, #tpu.memory_space<vmem>>, vector<1x16xf32>,
      %get3A_23 = vector.shape_cast %get3A_22 : vector<1x16xf32> to vector<16xf32>
      %get3A_24 = arith.constant 3 : i32
      %get3A_25 = arith.index_cast %get3A_24 : i32 to index
      %get3A_26 = arith.index_cast %mul3A_9 : i32 to index
      %get3A_27 = tpu.vector_load %arg6[%get3A_25, %get3A_26] {strides = array<i32>} : memref<16x512xf32, #tpu.memory_space<vmem>>, vector<1x16xf32>,
      %get3A_28 = vector.shape_cast %get3A_27 : vector<1x16xf32> to vector<16xf32>
      %get3A_29 = arith.constant 4 : i32
      %get3A_30 = arith.index_cast %get3A_29 : i32 to index
      %get3A_31 = arith.index_cast %mul3A_9 : i32 to index
      %get3A_32 = tpu.vector_load %arg6[%get3A_30, %get3A_31] {strides = array<i32>} : memref<16x512xf32, #tpu.memory_space<vmem>>, vector<1x16xf32>,
      %get3A_33 = vector.shape_cast %get3A_32 : vector<1x16xf32> to vector<16xf32>
      %get3A_34 = arith.constant 5 : i32
      %get3A_35 = arith.index_cast %get3A_34 : i32 to index
      %get3A_36 = arith.index_cast %mul3A_9 : i32 to index
      %get3A_37 = tpu.vector_load %arg6[%get3A_35, %get3A_36] {strides = array<i32>} : memref<16x512xf32, #tpu.memory_space<vmem>>, vector<1x16xf32>,
      %get3A_38 = vector.shape_cast %get3A_37 : vector<1x16xf32> to vector<16xf32>
      %get3A_39 = arith.constant 6 : i32
      %get3A_40 = arith.index_cast %get3A_39 : i32 to index
      %get3A_41 = arith.index_cast %mul3A_9 : i32 to index
      %get3A_42 = tpu.vector_load %arg6[%get3A_40, %get3A_41] {strides = array<i32>} : memref<16x512xf32, #tpu.memory_space<vmem>>, vector<1x16xf32>,
      %get3A_43 = vector.shape_cast %get3A_42 : vector<1x16xf32> to vector<16xf32>
      %get3A_44 = arith.constant 7 : i32
      %get3A_45 = arith.index_cast %get3A_44 : i32 to index
      %get3A_46 = arith.index_cast %mul3A_9 : i32 to index
      %get3A_47 = tpu.vector_load %arg6[%get3A_45, %get3A_46] {strides = array<i32>} : memref<16x512xf32, #tpu.memory_space<vmem>>, vector<1x16xf32>,
      %get3A_48 = vector.shape_cast %get3A_47 : vector<1x16xf32> to vector<16xf32>
      %get3A_49 = arith.constant 8 : i32
      %get3A_50 = arith.index_cast %get3A_49 : i32 to index
      %get3A_51 = arith.index_cast %mul3A_9 : i32 to index
      %get3A_52 = tpu.vector_load %arg6[%get3A_50, %get3A_51] {strides = array<i32>} : memref<16x512xf32, #tpu.memory_space<vmem>>, vector<1x16xf32>,
      %get3A_53 = vector.shape_cast %get3A_52 : vector<1x16xf32> to vector<16xf32>
      %get3A_54 = arith.constant 9 : i32
      %get3A_55 = arith.index_cast %get3A_54 : i32 to index
      %get3A_56 = arith.index_cast %mul3A_9 : i32 to index
      %get3A_57 = tpu.vector_load %arg6[%get3A_55, %get3A_56] {strides = array<i32>} : memref<16x512xf32, #tpu.memory_space<vmem>>, vector<1x16xf32>,
      %get3A_58 = vector.shape_cast %get3A_57 : vector<1x16xf32> to vector<16xf32>
      %get3A_59 = arith.constant 10 : i32
      %get3A_60 = arith.index_cast %get3A_59 : i32 to index
      %get3A_61 = arith.index_cast %mul3A_9 : i32 to index
      %get3A_62 = tpu.vector_load %arg6[%get3A_60, %get3A_61] {strides = array<i32>} : memref<16x512xf32, #tpu.memory_space<vmem>>, vector<1x16xf32>,
      %get3A_63 = vector.shape_cast %get3A_62 : vector<1x16xf32> to vector<16xf32>
      %get3A_64 = arith.constant 11 : i32
      %get3A_65 = arith.index_cast %get3A_64 : i32 to index
      %get3A_66 = arith.index_cast %mul3A_9 : i32 to index
      %get3A_67 = tpu.vector_load %arg6[%get3A_65, %get3A_66] {strides = array<i32>} : memref<16x512xf32, #tpu.memory_space<vmem>>, vector<1x16xf32>,
      %get3A_68 = vector.shape_cast %get3A_67 : vector<1x16xf32> to vector<16xf32>
      %get3A_69 = arith.constant 12 : i32
      %get3A_70 = arith.index_cast %get3A_69 : i32 to index
      %get3A_71 = arith.index_cast %mul3A_9 : i32 to index
      %get3A_72 = tpu.vector_load %arg6[%get3A_70, %get3A_71] {strides = array<i32>} : memref<16x512xf32, #tpu.memory_space<vmem>>, vector<1x16xf32>,
      %get3A_73 = vector.shape_cast %get3A_72 : vector<1x16xf32> to vector<16xf32>
      %get3A_74 = arith.constant 13 : i32
      %get3A_75 = arith.index_cast %get3A_74 : i32 to index
      %get3A_76 = arith.index_cast %mul3A_9 : i32 to index
      %get3A_77 = tpu.vector_load %arg6[%get3A_75, %get3A_76] {strides = array<i32>} : memref<16x512xf32, #tpu.memory_space<vmem>>, vector<1x16xf32>,
      %get3A_78 = vector.shape_cast %get3A_77 : vector<1x16xf32> to vector<16xf32>
      %get3A_79 = arith.constant 14 : i32
      %get3A_80 = arith.index_cast %get3A_79 : i32 to index
      %get3A_81 = arith.index_cast %mul3A_9 : i32 to index
      %get3A_82 = tpu.vector_load %arg6[%get3A_80, %get3A_81] {strides = array<i32>} : memref<16x512xf32, #tpu.memory_space<vmem>>, vector<1x16xf32>,
      %get3A_83 = vector.shape_cast %get3A_82 : vector<1x16xf32> to vector<16xf32>
      %get3A_84 = arith.constant 15 : i32
      %get3A_85 = arith.index_cast %get3A_84 : i32 to index
      %get3A_86 = arith.index_cast %mul3A_9 : i32 to index
      %get3A_87 = tpu.vector_load %arg6[%get3A_85, %get3A_86] {strides = array<i32>} : memref<16x512xf32, #tpu.memory_space<vmem>>, vector<1x16xf32>,
      %get3A_88 = vector.shape_cast %get3A_87 : vector<1x16xf32> to vector<16xf32>
      %max3A = arith.maximumf %get3A_13, %get3A_18 : vector<16xf32>
      %max3A_89 = arith.maximumf %max3A, %get3A_23 : vector<16xf32>
      %max3A_90 = arith.maximumf %max3A_89, %get3A_28 : vector<16xf32>
      %max3A_91 = arith.maximumf %max3A_90, %get3A_33 : vector<16xf32>
      %max3A_92 = arith.maximumf %max3A_91, %get3A_38 : vector<16xf32>
      %max3A_93 = arith.maximumf %max3A_92, %get3A_43 : vector<16xf32>
      %max3A_94 = arith.maximumf %max3A_93, %get3A_48 : vector<16xf32>
      %max3A_95 = arith.maximumf %max3A_94, %get3A_53 : vector<16xf32>
      %max3A_96 = arith.maximumf %max3A_95, %get3A_58 : vector<16xf32>
      %max3A_97 = arith.maximumf %max3A_96, %get3A_63 : vector<16xf32>
      %max3A_98 = arith.maximumf %max3A_97, %get3A_68 : vector<16xf32>
      %max3A_99 = arith.maximumf %max3A_98, %get3A_73 : vector<16xf32>
      %max3A_100 = arith.maximumf %max3A_99, %get3A_78 : vector<16xf32>
      %max3A_101 = arith.maximumf %max3A_100, %get3A_83 : vector<16xf32>
      %max3A_102 = arith.maximumf %max3A_101, %get3A_88 : vector<16xf32>
      %sub3A = arith.subf %get3A_13, %max3A_102 : vector<16xf32>
      %exp3A = math.exp %sub3A : vector<16xf32>
      %sub3A_103 = arith.subf %get3A_18, %max3A_102 : vector<16xf32>
      %exp3A_104 = math.exp %sub3A_103 : vector<16xf32>
      %sub3A_105 = arith.subf %get3A_23, %max3A_102 : vector<16xf32>
      %exp3A_106 = math.exp %sub3A_105 : vector<16xf32>
      %sub3A_107 = arith.subf %get3A_28, %max3A_102 : vector<16xf32>
      %exp3A_108 = math.exp %sub3A_107 : vector<16xf32>
      %sub3A_109 = arith.subf %get3A_33, %max3A_102 : vector<16xf32>
      %exp3A_110 = math.exp %sub3A_109 : vector<16xf32>
      %sub3A_111 = arith.subf %get3A_38, %max3A_102 : vector<16xf32>
      %exp3A_112 = math.exp %sub3A_111 : vector<16xf32>
      %sub3A_113 = arith.subf %get3A_43, %max3A_102 : vector<16xf32>
      %exp3A_114 = math.exp %sub3A_113 : vector<16xf32>
      %sub3A_115 = arith.subf %get3A_48, %max3A_102 : vector<16xf32>
      %exp3A_116 = math.exp %sub3A_115 : vector<16xf32>
      %sub3A_117 = arith.subf %get3A_53, %max3A_102 : vector<16xf32>
      %exp3A_118 = math.exp %sub3A_117 : vector<16xf32>
      %sub3A_119 = arith.subf %get3A_58, %max3A_102 : vector<16xf32>
      %exp3A_120 = math.exp %sub3A_119 : vector<16xf32>
      %sub3A_121 = arith.subf %get3A_63, %max3A_102 : vector<16xf32>
      %exp3A_122 = math.exp %sub3A_121 : vector<16xf32>
      %sub3A_123 = arith.subf %get3A_68, %max3A_102 : vector<16xf32>
      %exp3A_124 = math.exp %sub3A_123 : vector<16xf32>
      %sub3A_125 = arith.subf %get3A_73, %max3A_102 : vector<16xf32>
      %exp3A_126 = math.exp %sub3A_125 : vector<16xf32>
      %sub3A_127 = arith.subf %get3A_78, %max3A_102 : vector<16xf32>
      %exp3A_128 = math.exp %sub3A_127 : vector<16xf32>
      %sub3A_129 = arith.subf %get3A_83, %max3A_102 : vector<16xf32>
      %exp3A_130 = math.exp %sub3A_129 : vector<16xf32>
      %sub3A_131 = arith.subf %get3A_88, %max3A_102 : vector<16xf32>
      %exp3A_132 = math.exp %sub3A_131 : vector<16xf32>
      %add3A_133 = arith.addf %exp3A, %exp3A_104 : vector<16xf32>
      %add3A_134 = arith.addf %add3A_133, %exp3A_106 : vector<16xf32>
      %add3A_135 = arith.addf %add3A_134, %exp3A_108 : vector<16xf32>
      %add3A_136 = arith.addf %add3A_135, %exp3A_110 : vector<16xf32>
      %add3A_137 = arith.addf %add3A_136, %exp3A_112 : vector<16xf32>
      %add3A_138 = arith.addf %add3A_137, %exp3A_114 : vector<16xf32>
      %add3A_139 = arith.addf %add3A_138, %exp3A_116 : vector<16xf32>
      %add3A_140 = arith.addf %add3A_139, %exp3A_118 : vector<16xf32>
      %add3A_141 = arith.addf %add3A_140, %exp3A_120 : vector<16xf32>
      %add3A_142 = arith.addf %add3A_141, %exp3A_122 : vector<16xf32>
      %add3A_143 = arith.addf %add3A_142, %exp3A_124 : vector<16xf32>
      %add3A_144 = arith.addf %add3A_143, %exp3A_126 : vector<16xf32>
      %add3A_145 = arith.addf %add3A_144, %exp3A_128 : vector<16xf32>
      %add3A_146 = arith.addf %add3A_145, %exp3A_130 : vector<16xf32>
      %add3A_147 = arith.addf %add3A_146, %exp3A_132 : vector<16xf32>
      %div3A = arith.constant 1.000000e+00 : f32
      %div3A_148 = vector.broadcast %div3A : f32 to vector<16xf32>
      %div3A_149 = arith.divf %div3A_148, %add3A_147 : vector<16xf32>
      %mul3A_150 = arith.mulf %exp3A, %div3A_149 : vector<16xf32>
      %mul3A_151 = arith.mulf %exp3A_104, %div3A_149 : vector<16xf32>
      %mul3A_152 = arith.mulf %exp3A_106, %div3A_149 : vector<16xf32>
      %mul3A_153 = arith.mulf %exp3A_108, %div3A_149 : vector<16xf32>
      %mul3A_154 = arith.mulf %exp3A_110, %div3A_149 : vector<16xf32>
      %mul3A_155 = arith.mulf %exp3A_112, %div3A_149 : vector<16xf32>
      %mul3A_156 = arith.mulf %exp3A_114, %div3A_149 : vector<16xf32>
      %mul3A_157 = arith.mulf %exp3A_116, %div3A_149 : vector<16xf32>
      %mul3A_158 = arith.mulf %exp3A_118, %div3A_149 : vector<16xf32>
      %mul3A_159 = arith.mulf %exp3A_120, %div3A_149 : vector<16xf32>
      %mul3A_160 = arith.mulf %exp3A_122, %div3A_149 : vector<16xf32>
      %mul3A_161 = arith.mulf %exp3A_124, %div3A_149 : vector<16xf32>
      %mul3A_162 = arith.mulf %exp3A_126, %div3A_149 : vector<16xf32>
      %mul3A_163 = arith.mulf %exp3A_128, %div3A_149 : vector<16xf32>
      %mul3A_164 = arith.mulf %exp3A_130, %div3A_149 : vector<16xf32>
      %mul3A_165 = arith.mulf %exp3A_132, %div3A_149 : vector<16xf32>
      %swap3A = arith.constant 0 : i32
      %swap3A_166 = arith.index_cast %swap3A : i32 to index
      %swap3A_167 = arith.index_cast %mul3A_9 : i32 to index
      %swap3A_168 = tpu.vector_load %arg7[%swap3A_166, %swap3A_167] {strides = array<i32>} : memref<16x512xf32, #tpu.memory_space<vmem>>, vector<1x16xf32>,
      %swap3A_169 = vector.shape_cast %swap3A_168 : vector<1x16xf32> to vector<16xf32>
      %swap3A_170 = vector.shape_cast %mul3A_150 : vector<16xf32> to vector<1x16xf32>
      tpu.vector_store %arg7[%swap3A_166, %swap3A_167], %swap3A_170 {strides = array<i32>} : memref<16x512xf32, #tpu.memory_space<vmem>>, vector<1x16xf32>,
      %swap3A_171 = arith.constant 1 : i32
      %swap3A_172 = arith.index_cast %swap3A_171 : i32 to index
      %swap3A_173 = arith.index_cast %mul3A_9 : i32 to index
      %swap3A_174 = tpu.vector_load %arg7[%swap3A_172, %swap3A_173] {strides = array<i32>} : memref<16x512xf32, #tpu.memory_space<vmem>>, vector<1x16xf32>,
      %swap3A_175 = vector.shape_cast %swap3A_174 : vector<1x16xf32> to vector<16xf32>
      %swap3A_176 = vector.shape_cast %mul3A_151 : vector<16xf32> to vector<1x16xf32>
      tpu.vector_store %arg7[%swap3A_172, %swap3A_173], %swap3A_176 {strides = array<i32>} : memref<16x512xf32, #tpu.memory_space<vmem>>, vector<1x16xf32>,
      %swap3A_177 = arith.constant 2 : i32
      %swap3A_178 = arith.index_cast %swap3A_177 : i32 to index
      %swap3A_179 = arith.index_cast %mul3A_9 : i32 to index
      %swap3A_180 = tpu.vector_load %arg7[%swap3A_178, %swap3A_179] {strides = array<i32>} : memref<16x512xf32, #tpu.memory_space<vmem>>, vector<1x16xf32>,
      %swap3A_181 = vector.shape_cast %swap3A_180 : vector<1x16xf32> to vector<16xf32>
      %swap3A_182 = vector.shape_cast %mul3A_152 : vector<16xf32> to vector<1x16xf32>
      tpu.vector_store %arg7[%swap3A_178, %swap3A_179], %swap3A_182 {strides = array<i32>} : memref<16x512xf32, #tpu.memory_space<vmem>>, vector<1x16xf32>,
      %swap3A_183 = arith.constant 3 : i32
      %swap3A_184 = arith.index_cast %swap3A_183 : i32 to index
      %swap3A_185 = arith.index_cast %mul3A_9 : i32 to index
      %swap3A_186 = tpu.vector_load %arg7[%swap3A_184, %swap3A_185] {strides = array<i32>} : memref<16x512xf32, #tpu.memory_space<vmem>>, vector<1x16xf32>,
      %swap3A_187 = vector.shape_cast %swap3A_186 : vector<1x16xf32> to vector<16xf32>
      %swap3A_188 = vector.shape_cast %mul3A_153 : vector<16xf32> to vector<1x16xf32>
      tpu.vector_store %arg7[%swap3A_184, %swap3A_185], %swap3A_188 {strides = array<i32>} : memref<16x512xf32, #tpu.memory_space<vmem>>, vector<1x16xf32>,
      %swap3A_189 = arith.constant 4 : i32
      %swap3A_190 = arith.index_cast %swap3A_189 : i32 to index
      %swap3A_191 = arith.index_cast %mul3A_9 : i32 to index
      %swap3A_192 = tpu.vector_load %arg7[%swap3A_190, %swap3A_191] {strides = array<i32>} : memref<16x512xf32, #tpu.memory_space<vmem>>, vector<1x16xf32>,
      %swap3A_193 = vector.shape_cast %swap3A_192 : vector<1x16xf32> to vector<16xf32>
      %swap3A_194 = vector.shape_cast %mul3A_154 : vector<16xf32> to vector<1x16xf32>
      tpu.vector_store %arg7[%swap3A_190, %swap3A_191], %swap3A_194 {strides = array<i32>} : memref<16x512xf32, #tpu.memory_space<vmem>>, vector<1x16xf32>,
      %swap3A_195 = arith.constant 5 : i32
      %swap3A_196 = arith.index_cast %swap3A_195 : i32 to index
      %swap3A_197 = arith.index_cast %mul3A_9 : i32 to index
      %swap3A_198 = tpu.vector_load %arg7[%swap3A_196, %swap3A_197] {strides = array<i32>} : memref<16x512xf32, #tpu.memory_space<vmem>>, vector<1x16xf32>,
      %swap3A_199 = vector.shape_cast %swap3A_198 : vector<1x16xf32> to vector<16xf32>
      %swap3A_200 = vector.shape_cast %mul3A_155 : vector<16xf32> to vector<1x16xf32>
      tpu.vector_store %arg7[%swap3A_196, %swap3A_197], %swap3A_200 {strides = array<i32>} : memref<16x512xf32, #tpu.memory_space<vmem>>, vector<1x16xf32>,
      %swap3A_201 = arith.constant 6 : i32
      %swap3A_202 = arith.index_cast %swap3A_201 : i32 to index
      %swap3A_203 = arith.index_cast %mul3A_9 : i32 to index
      %swap3A_204 = tpu.vector_load %arg7[%swap3A_202, %swap3A_203] {strides = array<i32>} : memref<16x512xf32, #tpu.memory_space<vmem>>, vector<1x16xf32>,
      %swap3A_205 = vector.shape_cast %swap3A_204 : vector<1x16xf32> to vector<16xf32>
      %swap3A_206 = vector.shape_cast %mul3A_156 : vector<16xf32> to vector<1x16xf32>
      tpu.vector_store %arg7[%swap3A_202, %swap3A_203], %swap3A_206 {strides = array<i32>} : memref<16x512xf32, #tpu.memory_space<vmem>>, vector<1x16xf32>,
      %swap3A_207 = arith.constant 7 : i32
      %swap3A_208 = arith.index_cast %swap3A_207 : i32 to index
      %swap3A_209 = arith.index_cast %mul3A_9 : i32 to index
      %swap3A_210 = tpu.vector_load %arg7[%swap3A_208, %swap3A_209] {strides = array<i32>} : memref<16x512xf32, #tpu.memory_space<vmem>>, vector<1x16xf32>,
      %swap3A_211 = vector.shape_cast %swap3A_210 : vector<1x16xf32> to vector<16xf32>
      %swap3A_212 = vector.shape_cast %mul3A_157 : vector<16xf32> to vector<1x16xf32>
      tpu.vector_store %arg7[%swap3A_208, %swap3A_209], %swap3A_212 {strides = array<i32>} : memref<16x512xf32, #tpu.memory_space<vmem>>, vector<1x16xf32>,
      %swap3A_213 = arith.constant 8 : i32
      %swap3A_214 = arith.index_cast %swap3A_213 : i32 to index
      %swap3A_215 = arith.index_cast %mul3A_9 : i32 to index
      %swap3A_216 = tpu.vector_load %arg7[%swap3A_214, %swap3A_215] {strides = array<i32>} : memref<16x512xf32, #tpu.memory_space<vmem>>, vector<1x16xf32>,
      %swap3A_217 = vector.shape_cast %swap3A_216 : vector<1x16xf32> to vector<16xf32>
      %swap3A_218 = vector.shape_cast %mul3A_158 : vector<16xf32> to vector<1x16xf32>
      tpu.vector_store %arg7[%swap3A_214, %swap3A_215], %swap3A_218 {strides = array<i32>} : memref<16x512xf32, #tpu.memory_space<vmem>>, vector<1x16xf32>,
      %swap3A_219 = arith.constant 9 : i32
      %swap3A_220 = arith.index_cast %swap3A_219 : i32 to index
      %swap3A_221 = arith.index_cast %mul3A_9 : i32 to index
      %swap3A_222 = tpu.vector_load %arg7[%swap3A_220, %swap3A_221] {strides = array<i32>} : memref<16x512xf32, #tpu.memory_space<vmem>>, vector<1x16xf32>,
      %swap3A_223 = vector.shape_cast %swap3A_222 : vector<1x16xf32> to vector<16xf32>
      %swap3A_224 = vector.shape_cast %mul3A_159 : vector<16xf32> to vector<1x16xf32>
      tpu.vector_store %arg7[%swap3A_220, %swap3A_221], %swap3A_224 {strides = array<i32>} : memref<16x512xf32, #tpu.memory_space<vmem>>, vector<1x16xf32>,
      %swap3A_225 = arith.constant 10 : i32
      %swap3A_226 = arith.index_cast %swap3A_225 : i32 to index
      %swap3A_227 = arith.index_cast %mul3A_9 : i32 to index
      %swap3A_228 = tpu.vector_load %arg7[%swap3A_226, %swap3A_227] {strides = array<i32>} : memref<16x512xf32, #tpu.memory_space<vmem>>, vector<1x16xf32>,
      %swap3A_229 = vector.shape_cast %swap3A_228 : vector<1x16xf32> to vector<16xf32>
      %swap3A_230 = vector.shape_cast %mul3A_160 : vector<16xf32> to vector<1x16xf32>
      tpu.vector_store %arg7[%swap3A_226, %swap3A_227], %swap3A_230 {strides = array<i32>} : memref<16x512xf32, #tpu.memory_space<vmem>>, vector<1x16xf32>,
      %swap3A_231 = arith.constant 11 : i32
      %swap3A_232 = arith.index_cast %swap3A_231 : i32 to index
      %swap3A_233 = arith.index_cast %mul3A_9 : i32 to index
      %swap3A_234 = tpu.vector_load %arg7[%swap3A_232, %swap3A_233] {strides = array<i32>} : memref<16x512xf32, #tpu.memory_space<vmem>>, vector<1x16xf32>,
      %swap3A_235 = vector.shape_cast %swap3A_234 : vector<1x16xf32> to vector<16xf32>
      %swap3A_236 = vector.shape_cast %mul3A_161 : vector<16xf32> to vector<1x16xf32>
      tpu.vector_store %arg7[%swap3A_232, %swap3A_233], %swap3A_236 {strides = array<i32>} : memref<16x512xf32, #tpu.memory_space<vmem>>, vector<1x16xf32>,
      %swap3A_237 = arith.constant 12 : i32
      %swap3A_238 = arith.index_cast %swap3A_237 : i32 to index
      %swap3A_239 = arith.index_cast %mul3A_9 : i32 to index
      %swap3A_240 = tpu.vector_load %arg7[%swap3A_238, %swap3A_239] {strides = array<i32>} : memref<16x512xf32, #tpu.memory_space<vmem>>, vector<1x16xf32>,
      %swap3A_241 = vector.shape_cast %swap3A_240 : vector<1x16xf32> to vector<16xf32>
      %swap3A_242 = vector.shape_cast %mul3A_162 : vector<16xf32> to vector<1x16xf32>
      tpu.vector_store %arg7[%swap3A_238, %swap3A_239], %swap3A_242 {strides = array<i32>} : memref<16x512xf32, #tpu.memory_space<vmem>>, vector<1x16xf32>,
      %swap3A_243 = arith.constant 13 : i32
      %swap3A_244 = arith.index_cast %swap3A_243 : i32 to index
      %swap3A_245 = arith.index_cast %mul3A_9 : i32 to index
      %swap3A_246 = tpu.vector_load %arg7[%swap3A_244, %swap3A_245] {strides = array<i32>} : memref<16x512xf32, #tpu.memory_space<vmem>>, vector<1x16xf32>,
      %swap3A_247 = vector.shape_cast %swap3A_246 : vector<1x16xf32> to vector<16xf32>
      %swap3A_248 = vector.shape_cast %mul3A_163 : vector<16xf32> to vector<1x16xf32>
      tpu.vector_store %arg7[%swap3A_244, %swap3A_245], %swap3A_248 {strides = array<i32>} : memref<16x512xf32, #tpu.memory_space<vmem>>, vector<1x16xf32>,
      %swap3A_249 = arith.constant 14 : i32
      %swap3A_250 = arith.index_cast %swap3A_249 : i32 to index
      %swap3A_251 = arith.index_cast %mul3A_9 : i32 to index
      %swap3A_252 = tpu.vector_load %arg7[%swap3A_250, %swap3A_251] {strides = array<i32>} : memref<16x512xf32, #tpu.memory_space<vmem>>, vector<1x16xf32>,
      %swap3A_253 = vector.shape_cast %swap3A_252 : vector<1x16xf32> to vector<16xf32>
      %swap3A_254 = vector.shape_cast %mul3A_164 : vector<16xf32> to vector<1x16xf32>
      tpu.vector_store %arg7[%swap3A_250, %swap3A_251], %swap3A_254 {strides = array<i32>} : memref<16x512xf32, #tpu.memory_space<vmem>>, vector<1x16xf32>,
      %swap3A_255 = arith.constant 15 : i32
      %swap3A_256 = arith.index_cast %swap3A_255 : i32 to index
      %swap3A_257 = arith.index_cast %mul3A_9 : i32 to index
      %swap3A_258 = tpu.vector_load %arg7[%swap3A_256, %swap3A_257] {strides = array<i32>} : memref<16x512xf32, #tpu.memory_space<vmem>>, vector<1x16xf32>,
      %swap3A_259 = vector.shape_cast %swap3A_258 : vector<1x16xf32> to vector<16xf32>
      %swap3A_260 = vector.shape_cast %mul3A_165 : vector<16xf32> to vector<1x16xf32>
      tpu.vector_store %arg7[%swap3A_256, %swap3A_257], %swap3A_260 {strides = array<i32>} : memref<16x512xf32, #tpu.memory_space<vmem>>, vector<1x16xf32>,
      %max3A_261 = arith.maximumf %mul3A_150, %mul3A_151 : vector<16xf32>
      %max3A_262 = arith.maximumf %max3A_261, %mul3A_152 : vector<16xf32>
      %max3A_263 = arith.maximumf %max3A_262, %mul3A_153 : vector<16xf32>
      %max3A_264 = arith.maximumf %max3A_263, %mul3A_154 : vector<16xf32>
      %max3A_265 = arith.maximumf %max3A_264, %mul3A_155 : vector<16xf32>
      %max3A_266 = arith.maximumf %max3A_265, %mul3A_156 : vector<16xf32>
      %max3A_267 = arith.maximumf %max3A_266, %mul3A_157 : vector<16xf32>
      %max3A_268 = arith.maximumf %max3A_267, %mul3A_158 : vector<16xf32>
      %max3A_269 = arith.maximumf %max3A_268, %mul3A_159 : vector<16xf32>
      %max3A_270 = arith.maximumf %max3A_269, %mul3A_160 : vector<16xf32>
      %max3A_271 = arith.maximumf %max3A_270, %mul3A_161 : vector<16xf32>
      %max3A_272 = arith.maximumf %max3A_271, %mul3A_162 : vector<16xf32>
      %max3A_273 = arith.maximumf %max3A_272, %mul3A_163 : vector<16xf32>
      %max3A_274 = arith.maximumf %max3A_273, %mul3A_164 : vector<16xf32>
      %max3A_275 = arith.maximumf %max3A_274, %mul3A_165 : vector<16xf32>
      %broadcast_in_dim3A = arith.constant 16 : i32
      %broadcast_in_dim3A_276 = vector.broadcast %broadcast_in_dim3A : i32 to vector<16xi32>
      %eq3A = arith.cmpf oeq, %mul3A_165, %max3A_275 : vector<16xf32>
      %broadcast_in_dim3A_277 = arith.constant 15 : i32
      %broadcast_in_dim3A_278 = vector.broadcast %broadcast_in_dim3A_277 : i32 to vector<16xi32>
      %select_n3A = arith.select %eq3A, %broadcast_in_dim3A_278, %broadcast_in_dim3A_276 : vector<16xi1>, vector<16xi32>
      %eq3A_279 = arith.cmpf oeq, %mul3A_164, %max3A_275 : vector<16xf32>
      %broadcast_in_dim3A_280 = arith.constant 14 : i32
      %broadcast_in_dim3A_281 = vector.broadcast %broadcast_in_dim3A_280 : i32 to vector<16xi32>
      %select_n3A_282 = arith.select %eq3A_279, %broadcast_in_dim3A_281, %select_n3A : vector<16xi1>, vector<16xi32>
      %eq3A_283 = arith.cmpf oeq, %mul3A_163, %max3A_275 : vector<16xf32>
      %broadcast_in_dim3A_284 = arith.constant 13 : i32
      %broadcast_in_dim3A_285 = vector.broadcast %broadcast_in_dim3A_284 : i32 to vector<16xi32>
      %select_n3A_286 = arith.select %eq3A_283, %broadcast_in_dim3A_285, %select_n3A_282 : vector<16xi1>, vector<16xi32>
      %eq3A_287 = arith.cmpf oeq, %mul3A_162, %max3A_275 : vector<16xf32>
      %broadcast_in_dim3A_288 = arith.constant 12 : i32
      %broadcast_in_dim3A_289 = vector.broadcast %broadcast_in_dim3A_288 : i32 to vector<16xi32>
      %select_n3A_290 = arith.select %eq3A_287, %broadcast_in_dim3A_289, %select_n3A_286 : vector<16xi1>, vector<16xi32>
      %eq3A_291 = arith.cmpf oeq, %mul3A_161, %max3A_275 : vector<16xf32>
      %broadcast_in_dim3A_292 = arith.constant 11 : i32
      %broadcast_in_dim3A_293 = vector.broadcast %broadcast_in_dim3A_292 : i32 to vector<16xi32>
      %select_n3A_294 = arith.select %eq3A_291, %broadcast_in_dim3A_293, %select_n3A_290 : vector<16xi1>, vector<16xi32>
      %eq3A_295 = arith.cmpf oeq, %mul3A_160, %max3A_275 : vector<16xf32>
      %broadcast_in_dim3A_296 = arith.constant 10 : i32
      %broadcast_in_dim3A_297 = vector.broadcast %broadcast_in_dim3A_296 : i32 to vector<16xi32>
      %select_n3A_298 = arith.select %eq3A_295, %broadcast_in_dim3A_297, %select_n3A_294 : vector<16xi1>, vector<16xi32>
      %eq3A_299 = arith.cmpf oeq, %mul3A_159, %max3A_275 : vector<16xf32>
      %broadcast_in_dim3A_300 = arith.constant 9 : i32
      %broadcast_in_dim3A_301 = vector.broadcast %broadcast_in_dim3A_300 : i32 to vector<16xi32>
      %select_n3A_302 = arith.select %eq3A_299, %broadcast_in_dim3A_301, %select_n3A_298 : vector<16xi1>, vector<16xi32>
      %eq3A_303 = arith.cmpf oeq, %mul3A_158, %max3A_275 : vector<16xf32>
      %broadcast_in_dim3A_304 = arith.constant 8 : i32
      %broadcast_in_dim3A_305 = vector.broadcast %broadcast_in_dim3A_304 : i32 to vector<16xi32>
      %select_n3A_306 = arith.select %eq3A_303, %broadcast_in_dim3A_305, %select_n3A_302 : vector<16xi1>, vector<16xi32>
      %eq3A_307 = arith.cmpf oeq, %mul3A_157, %max3A_275 : vector<16xf32>
      %broadcast_in_dim3A_308 = arith.constant 7 : i32
      %broadcast_in_dim3A_309 = vector.broadcast %broadcast_in_dim3A_308 : i32 to vector<16xi32>
      %select_n3A_310 = arith.select %eq3A_307, %broadcast_in_dim3A_309, %select_n3A_306 : vector<16xi1>, vector<16xi32>
      %eq3A_311 = arith.cmpf oeq, %mul3A_156, %max3A_275 : vector<16xf32>
      %broadcast_in_dim3A_312 = arith.constant 6 : i32
      %broadcast_in_dim3A_313 = vector.broadcast %broadcast_in_dim3A_312 : i32 to vector<16xi32>
      %select_n3A_314 = arith.select %eq3A_311, %broadcast_in_dim3A_313, %select_n3A_310 : vector<16xi1>, vector<16xi32>
      %eq3A_315 = arith.cmpf oeq, %mul3A_155, %max3A_275 : vector<16xf32>
      %broadcast_in_dim3A_316 = arith.constant 5 : i32
      %broadcast_in_dim3A_317 = vector.broadcast %broadcast_in_dim3A_316 : i32 to vector<16xi32>
      %select_n3A_318 = arith.select %eq3A_315, %broadcast_in_dim3A_317, %select_n3A_314 : vector<16xi1>, vector<16xi32>
      %eq3A_319 = arith.cmpf oeq, %mul3A_154, %max3A_275 : vector<16xf32>
      %broadcast_in_dim3A_320 = arith.constant 4 : i32
      %broadcast_in_dim3A_321 = vector.broadcast %broadcast_in_dim3A_320 : i32 to vector<16xi32>
      %select_n3A_322 = arith.select %eq3A_319, %broadcast_in_dim3A_321, %select_n3A_318 : vector<16xi1>, vector<16xi32>
      %eq3A_323 = arith.cmpf oeq, %mul3A_153, %max3A_275 : vector<16xf32>
      %broadcast_in_dim3A_324 = arith.constant 3 : i32
      %broadcast_in_dim3A_325 = vector.broadcast %broadcast_in_dim3A_324 : i32 to vector<16xi32>
      %select_n3A_326 = arith.select %eq3A_323, %broadcast_in_dim3A_325, %select_n3A_322 : vector<16xi1>, vector<16xi32>
      %eq3A_327 = arith.cmpf oeq, %mul3A_152, %max3A_275 : vector<16xf32>
      %broadcast_in_dim3A_328 = arith.constant 2 : i32
      %broadcast_in_dim3A_329 = vector.broadcast %broadcast_in_dim3A_328 : i32 to vector<16xi32>
      %select_n3A_330 = arith.select %eq3A_327, %broadcast_in_dim3A_329, %select_n3A_326 : vector<16xi1>, vector<16xi32>
      %eq3A_331 = arith.cmpf oeq, %mul3A_151, %max3A_275 : vector<16xf32>
      %broadcast_in_dim3A_332 = arith.constant 1 : i32
      %broadcast_in_dim3A_333 = vector.broadcast %broadcast_in_dim3A_332 : i32 to vector<16xi32>
      %select_n3A_334 = arith.select %eq3A_331, %broadcast_in_dim3A_333, %select_n3A_330 : vector<16xi1>, vector<16xi32>
      %eq3A_335 = arith.cmpf oeq, %mul3A_150, %max3A_275 : vector<16xf32>
      %broadcast_in_dim3A_336 = arith.constant 0 : i32
      %broadcast_in_dim3A_337 = vector.broadcast %broadcast_in_dim3A_336 : i32 to vector<16xi32>
      %select_n3A_338 = arith.select %eq3A_335, %broadcast_in_dim3A_337, %select_n3A_334 : vector<16xi1>, vector<16xi32>
      %broadcast_in_dim3A_339 = arith.constant 0xFF800000 : f32
      %broadcast_in_dim3A_340 = vector.broadcast %broadcast_in_dim3A_339 : f32 to vector<16xf32>
      %eq3A_341 = arith.constant 0 : i32
      %eq3A_342 = vector.broadcast %eq3A_341 : i32 to vector<16xi32>
      %eq3A_343 = arith.cmpi eq, %select_n3A_338, %eq3A_342 : vector<16xi32>
      %select_n3A_344 = arith.select %eq3A_343, %broadcast_in_dim3A_340, %mul3A_150 : vector<16xi1>, vector<16xf32>
      %max3A_345 = arith.maximumf %broadcast_in_dim3A_340, %select_n3A_344 : vector<16xf32>
      %eq3A_346 = arith.constant 1 : i32
      %eq3A_347 = vector.broadcast %eq3A_346 : i32 to vector<16xi32>
      %eq3A_348 = arith.cmpi eq, %select_n3A_338, %eq3A_347 : vector<16xi32>
      %select_n3A_349 = arith.select %eq3A_348, %broadcast_in_dim3A_340, %mul3A_151 : vector<16xi1>, vector<16xf32>
      %max3A_350 = arith.maximumf %max3A_345, %select_n3A_349 : vector<16xf32>
      %eq3A_351 = arith.constant 2 : i32
      %eq3A_352 = vector.broadcast %eq3A_351 : i32 to vector<16xi32>
      %eq3A_353 = arith.cmpi eq, %select_n3A_338, %eq3A_352 : vector<16xi32>
      %select_n3A_354 = arith.select %eq3A_353, %broadcast_in_dim3A_340, %mul3A_152 : vector<16xi1>, vector<16xf32>
      %max3A_355 = arith.maximumf %max3A_350, %select_n3A_354 : vector<16xf32>
      %eq3A_356 = arith.constant 3 : i32
      %eq3A_357 = vector.broadcast %eq3A_356 : i32 to vector<16xi32>
      %eq3A_358 = arith.cmpi eq, %select_n3A_338, %eq3A_357 : vector<16xi32>
      %select_n3A_359 = arith.select %eq3A_358, %broadcast_in_dim3A_340, %mul3A_153 : vector<16xi1>, vector<16xf32>
      %max3A_360 = arith.maximumf %max3A_355, %select_n3A_359 : vector<16xf32>
      %eq3A_361 = arith.constant 4 : i32
      %eq3A_362 = vector.broadcast %eq3A_361 : i32 to vector<16xi32>
      %eq3A_363 = arith.cmpi eq, %select_n3A_338, %eq3A_362 : vector<16xi32>
      %select_n3A_364 = arith.select %eq3A_363, %broadcast_in_dim3A_340, %mul3A_154 : vector<16xi1>, vector<16xf32>
      %max3A_365 = arith.maximumf %max3A_360, %select_n3A_364 : vector<16xf32>
      %eq3A_366 = arith.constant 5 : i32
      %eq3A_367 = vector.broadcast %eq3A_366 : i32 to vector<16xi32>
      %eq3A_368 = arith.cmpi eq, %select_n3A_338, %eq3A_367 : vector<16xi32>
      %select_n3A_369 = arith.select %eq3A_368, %broadcast_in_dim3A_340, %mul3A_155 : vector<16xi1>, vector<16xf32>
      %max3A_370 = arith.maximumf %max3A_365, %select_n3A_369 : vector<16xf32>
      %eq3A_371 = arith.constant 6 : i32
      %eq3A_372 = vector.broadcast %eq3A_371 : i32 to vector<16xi32>
      %eq3A_373 = arith.cmpi eq, %select_n3A_338, %eq3A_372 : vector<16xi32>
      %select_n3A_374 = arith.select %eq3A_373, %broadcast_in_dim3A_340, %mul3A_156 : vector<16xi1>, vector<16xf32>
      %max3A_375 = arith.maximumf %max3A_370, %select_n3A_374 : vector<16xf32>
      %eq3A_376 = arith.constant 7 : i32
      %eq3A_377 = vector.broadcast %eq3A_376 : i32 to vector<16xi32>
      %eq3A_378 = arith.cmpi eq, %select_n3A_338, %eq3A_377 : vector<16xi32>
      %select_n3A_379 = arith.select %eq3A_378, %broadcast_in_dim3A_340, %mul3A_157 : vector<16xi1>, vector<16xf32>
      %max3A_380 = arith.maximumf %max3A_375, %select_n3A_379 : vector<16xf32>
      %eq3A_381 = arith.constant 8 : i32
      %eq3A_382 = vector.broadcast %eq3A_381 : i32 to vector<16xi32>
      %eq3A_383 = arith.cmpi eq, %select_n3A_338, %eq3A_382 : vector<16xi32>
      %select_n3A_384 = arith.select %eq3A_383, %broadcast_in_dim3A_340, %mul3A_158 : vector<16xi1>, vector<16xf32>
      %max3A_385 = arith.maximumf %max3A_380, %select_n3A_384 : vector<16xf32>
      %eq3A_386 = arith.constant 9 : i32
      %eq3A_387 = vector.broadcast %eq3A_386 : i32 to vector<16xi32>
      %eq3A_388 = arith.cmpi eq, %select_n3A_338, %eq3A_387 : vector<16xi32>
      %select_n3A_389 = arith.select %eq3A_388, %broadcast_in_dim3A_340, %mul3A_159 : vector<16xi1>, vector<16xf32>
      %max3A_390 = arith.maximumf %max3A_385, %select_n3A_389 : vector<16xf32>
      %eq3A_391 = arith.constant 10 : i32
      %eq3A_392 = vector.broadcast %eq3A_391 : i32 to vector<16xi32>
      %eq3A_393 = arith.cmpi eq, %select_n3A_338, %eq3A_392 : vector<16xi32>
      %select_n3A_394 = arith.select %eq3A_393, %broadcast_in_dim3A_340, %mul3A_160 : vector<16xi1>, vector<16xf32>
      %max3A_395 = arith.maximumf %max3A_390, %select_n3A_394 : vector<16xf32>
      %eq3A_396 = arith.constant 11 : i32
      %eq3A_397 = vector.broadcast %eq3A_396 : i32 to vector<16xi32>
      %eq3A_398 = arith.cmpi eq, %select_n3A_338, %eq3A_397 : vector<16xi32>
      %select_n3A_399 = arith.select %eq3A_398, %broadcast_in_dim3A_340, %mul3A_161 : vector<16xi1>, vector<16xf32>
      %max3A_400 = arith.maximumf %max3A_395, %select_n3A_399 : vector<16xf32>
      %eq3A_401 = arith.constant 12 : i32
      %eq3A_402 = vector.broadcast %eq3A_401 : i32 to vector<16xi32>
      %eq3A_403 = arith.cmpi eq, %select_n3A_338, %eq3A_402 : vector<16xi32>
      %select_n3A_404 = arith.select %eq3A_403, %broadcast_in_dim3A_340, %mul3A_162 : vector<16xi1>, vector<16xf32>
      %max3A_405 = arith.maximumf %max3A_400, %select_n3A_404 : vector<16xf32>
      %eq3A_406 = arith.constant 13 : i32
      %eq3A_407 = vector.broadcast %eq3A_406 : i32 to vector<16xi32>
      %eq3A_408 = arith.cmpi eq, %select_n3A_338, %eq3A_407 : vector<16xi32>
      %select_n3A_409 = arith.select %eq3A_408, %broadcast_in_dim3A_340, %mul3A_163 : vector<16xi1>, vector<16xf32>
      %max3A_410 = arith.maximumf %max3A_405, %select_n3A_409 : vector<16xf32>
      %eq3A_411 = arith.constant 14 : i32
      %eq3A_412 = vector.broadcast %eq3A_411 : i32 to vector<16xi32>
      %eq3A_413 = arith.cmpi eq, %select_n3A_338, %eq3A_412 : vector<16xi32>
      %select_n3A_414 = arith.select %eq3A_413, %broadcast_in_dim3A_340, %mul3A_164 : vector<16xi1>, vector<16xf32>
      %max3A_415 = arith.maximumf %max3A_410, %select_n3A_414 : vector<16xf32>
      %eq3A_416 = arith.constant 15 : i32
      %eq3A_417 = vector.broadcast %eq3A_416 : i32 to vector<16xi32>
      %eq3A_418 = arith.cmpi eq, %select_n3A_338, %eq3A_417 : vector<16xi32>
      %select_n3A_419 = arith.select %eq3A_418, %broadcast_in_dim3A_340, %mul3A_165 : vector<16xi1>, vector<16xf32>
      %max3A_420 = arith.maximumf %max3A_415, %select_n3A_419 : vector<16xf32>
      %broadcast_in_dim3A_421 = arith.constant 16 : i32
      %broadcast_in_dim3A_422 = vector.broadcast %broadcast_in_dim3A_421 : i32 to vector<16xi32>
      %eq3A_423 = arith.cmpf oeq, %mul3A_165, %max3A_420 : vector<16xf32>
      %ne3A = arith.constant 15 : i32
      %ne3A_424 = vector.broadcast %ne3A : i32 to vector<16xi32>
      %ne3A_425 = arith.cmpi ne, %select_n3A_338, %ne3A_424 : vector<16xi32>
      %and3A = arith.andi %eq3A_423, %ne3A_425 : vector<16xi1>
      %broadcast_in_dim3A_426 = arith.constant 15 : i32
      %broadcast_in_dim3A_427 = vector.broadcast %broadcast_in_dim3A_426 : i32 to vector<16xi32>
      %select_n3A_428 = arith.select %and3A, %broadcast_in_dim3A_427, %broadcast_in_dim3A_422 : vector<16xi1>, vector<16xi32>
      %eq3A_429 = arith.cmpf oeq, %mul3A_164, %max3A_420 : vector<16xf32>
      %ne3A_430 = arith.constant 14 : i32
      %ne3A_431 = vector.broadcast %ne3A_430 : i32 to vector<16xi32>
      %ne3A_432 = arith.cmpi ne, %select_n3A_338, %ne3A_431 : vector<16xi32>
      %and3A_433 = arith.andi %eq3A_429, %ne3A_432 : vector<16xi1>
      %broadcast_in_dim3A_434 = arith.constant 14 : i32
      %broadcast_in_dim3A_435 = vector.broadcast %broadcast_in_dim3A_434 : i32 to vector<16xi32>
      %select_n3A_436 = arith.select %and3A_433, %broadcast_in_dim3A_435, %select_n3A_428 : vector<16xi1>, vector<16xi32>
      %eq3A_437 = arith.cmpf oeq, %mul3A_163, %max3A_420 : vector<16xf32>
      %ne3A_438 = arith.constant 13 : i32
      %ne3A_439 = vector.broadcast %ne3A_438 : i32 to vector<16xi32>
      %ne3A_440 = arith.cmpi ne, %select_n3A_338, %ne3A_439 : vector<16xi32>
      %and3A_441 = arith.andi %eq3A_437, %ne3A_440 : vector<16xi1>
      %broadcast_in_dim3A_442 = arith.constant 13 : i32
      %broadcast_in_dim3A_443 = vector.broadcast %broadcast_in_dim3A_442 : i32 to vector<16xi32>
      %select_n3A_444 = arith.select %and3A_441, %broadcast_in_dim3A_443, %select_n3A_436 : vector<16xi1>, vector<16xi32>
      %eq3A_445 = arith.cmpf oeq, %mul3A_162, %max3A_420 : vector<16xf32>
      %ne3A_446 = arith.constant 12 : i32
      %ne3A_447 = vector.broadcast %ne3A_446 : i32 to vector<16xi32>
      %ne3A_448 = arith.cmpi ne, %select_n3A_338, %ne3A_447 : vector<16xi32>
      %and3A_449 = arith.andi %eq3A_445, %ne3A_448 : vector<16xi1>
      %broadcast_in_dim3A_450 = arith.constant 12 : i32
      %broadcast_in_dim3A_451 = vector.broadcast %broadcast_in_dim3A_450 : i32 to vector<16xi32>
      %select_n3A_452 = arith.select %and3A_449, %broadcast_in_dim3A_451, %select_n3A_444 : vector<16xi1>, vector<16xi32>
      %eq3A_453 = arith.cmpf oeq, %mul3A_161, %max3A_420 : vector<16xf32>
      %ne3A_454 = arith.constant 11 : i32
      %ne3A_455 = vector.broadcast %ne3A_454 : i32 to vector<16xi32>
      %ne3A_456 = arith.cmpi ne, %select_n3A_338, %ne3A_455 : vector<16xi32>
      %and3A_457 = arith.andi %eq3A_453, %ne3A_456 : vector<16xi1>
      %broadcast_in_dim3A_458 = arith.constant 11 : i32
      %broadcast_in_dim3A_459 = vector.broadcast %broadcast_in_dim3A_458 : i32 to vector<16xi32>
      %select_n3A_460 = arith.select %and3A_457, %broadcast_in_dim3A_459, %select_n3A_452 : vector<16xi1>, vector<16xi32>
      %eq3A_461 = arith.cmpf oeq, %mul3A_160, %max3A_420 : vector<16xf32>
      %ne3A_462 = arith.constant 10 : i32
      %ne3A_463 = vector.broadcast %ne3A_462 : i32 to vector<16xi32>
      %ne3A_464 = arith.cmpi ne, %select_n3A_338, %ne3A_463 : vector<16xi32>
      %and3A_465 = arith.andi %eq3A_461, %ne3A_464 : vector<16xi1>
      %broadcast_in_dim3A_466 = arith.constant 10 : i32
      %broadcast_in_dim3A_467 = vector.broadcast %broadcast_in_dim3A_466 : i32 to vector<16xi32>
      %select_n3A_468 = arith.select %and3A_465, %broadcast_in_dim3A_467, %select_n3A_460 : vector<16xi1>, vector<16xi32>
      %eq3A_469 = arith.cmpf oeq, %mul3A_159, %max3A_420 : vector<16xf32>
      %ne3A_470 = arith.constant 9 : i32
      %ne3A_471 = vector.broadcast %ne3A_470 : i32 to vector<16xi32>
      %ne3A_472 = arith.cmpi ne, %select_n3A_338, %ne3A_471 : vector<16xi32>
      %and3A_473 = arith.andi %eq3A_469, %ne3A_472 : vector<16xi1>
      %broadcast_in_dim3A_474 = arith.constant 9 : i32
      %broadcast_in_dim3A_475 = vector.broadcast %broadcast_in_dim3A_474 : i32 to vector<16xi32>
      %select_n3A_476 = arith.select %and3A_473, %broadcast_in_dim3A_475, %select_n3A_468 : vector<16xi1>, vector<16xi32>
      %eq3A_477 = arith.cmpf oeq, %mul3A_158, %max3A_420 : vector<16xf32>
      %ne3A_478 = arith.constant 8 : i32
      %ne3A_479 = vector.broadcast %ne3A_478 : i32 to vector<16xi32>
      %ne3A_480 = arith.cmpi ne, %select_n3A_338, %ne3A_479 : vector<16xi32>
      %and3A_481 = arith.andi %eq3A_477, %ne3A_480 : vector<16xi1>
      %broadcast_in_dim3A_482 = arith.constant 8 : i32
      %broadcast_in_dim3A_483 = vector.broadcast %broadcast_in_dim3A_482 : i32 to vector<16xi32>
      %select_n3A_484 = arith.select %and3A_481, %broadcast_in_dim3A_483, %select_n3A_476 : vector<16xi1>, vector<16xi32>
      %eq3A_485 = arith.cmpf oeq, %mul3A_157, %max3A_420 : vector<16xf32>
      %ne3A_486 = arith.constant 7 : i32
      %ne3A_487 = vector.broadcast %ne3A_486 : i32 to vector<16xi32>
      %ne3A_488 = arith.cmpi ne, %select_n3A_338, %ne3A_487 : vector<16xi32>
      %and3A_489 = arith.andi %eq3A_485, %ne3A_488 : vector<16xi1>
      %broadcast_in_dim3A_490 = arith.constant 7 : i32
      %broadcast_in_dim3A_491 = vector.broadcast %broadcast_in_dim3A_490 : i32 to vector<16xi32>
      %select_n3A_492 = arith.select %and3A_489, %broadcast_in_dim3A_491, %select_n3A_484 : vector<16xi1>, vector<16xi32>
      %eq3A_493 = arith.cmpf oeq, %mul3A_156, %max3A_420 : vector<16xf32>
      %ne3A_494 = arith.constant 6 : i32
      %ne3A_495 = vector.broadcast %ne3A_494 : i32 to vector<16xi32>
      %ne3A_496 = arith.cmpi ne, %select_n3A_338, %ne3A_495 : vector<16xi32>
      %and3A_497 = arith.andi %eq3A_493, %ne3A_496 : vector<16xi1>
      %broadcast_in_dim3A_498 = arith.constant 6 : i32
      %broadcast_in_dim3A_499 = vector.broadcast %broadcast_in_dim3A_498 : i32 to vector<16xi32>
      %select_n3A_500 = arith.select %and3A_497, %broadcast_in_dim3A_499, %select_n3A_492 : vector<16xi1>, vector<16xi32>
      %eq3A_501 = arith.cmpf oeq, %mul3A_155, %max3A_420 : vector<16xf32>
      %ne3A_502 = arith.constant 5 : i32
      %ne3A_503 = vector.broadcast %ne3A_502 : i32 to vector<16xi32>
      %ne3A_504 = arith.cmpi ne, %select_n3A_338, %ne3A_503 : vector<16xi32>
      %and3A_505 = arith.andi %eq3A_501, %ne3A_504 : vector<16xi1>
      %broadcast_in_dim3A_506 = arith.constant 5 : i32
      %broadcast_in_dim3A_507 = vector.broadcast %broadcast_in_dim3A_506 : i32 to vector<16xi32>
      %select_n3A_508 = arith.select %and3A_505, %broadcast_in_dim3A_507, %select_n3A_500 : vector<16xi1>, vector<16xi32>
      %eq3A_509 = arith.cmpf oeq, %mul3A_154, %max3A_420 : vector<16xf32>
      %ne3A_510 = arith.constant 4 : i32
      %ne3A_511 = vector.broadcast %ne3A_510 : i32 to vector<16xi32>
      %ne3A_512 = arith.cmpi ne, %select_n3A_338, %ne3A_511 : vector<16xi32>
      %and3A_513 = arith.andi %eq3A_509, %ne3A_512 : vector<16xi1>
      %broadcast_in_dim3A_514 = arith.constant 4 : i32
      %broadcast_in_dim3A_515 = vector.broadcast %broadcast_in_dim3A_514 : i32 to vector<16xi32>
      %select_n3A_516 = arith.select %and3A_513, %broadcast_in_dim3A_515, %select_n3A_508 : vector<16xi1>, vector<16xi32>
      %eq3A_517 = arith.cmpf oeq, %mul3A_153, %max3A_420 : vector<16xf32>
      %ne3A_518 = arith.constant 3 : i32
      %ne3A_519 = vector.broadcast %ne3A_518 : i32 to vector<16xi32>
      %ne3A_520 = arith.cmpi ne, %select_n3A_338, %ne3A_519 : vector<16xi32>
      %and3A_521 = arith.andi %eq3A_517, %ne3A_520 : vector<16xi1>
      %broadcast_in_dim3A_522 = arith.constant 3 : i32
      %broadcast_in_dim3A_523 = vector.broadcast %broadcast_in_dim3A_522 : i32 to vector<16xi32>
      %select_n3A_524 = arith.select %and3A_521, %broadcast_in_dim3A_523, %select_n3A_516 : vector<16xi1>, vector<16xi32>
      %eq3A_525 = arith.cmpf oeq, %mul3A_152, %max3A_420 : vector<16xf32>
      %ne3A_526 = arith.constant 2 : i32
      %ne3A_527 = vector.broadcast %ne3A_526 : i32 to vector<16xi32>
      %ne3A_528 = arith.cmpi ne, %select_n3A_338, %ne3A_527 : vector<16xi32>
      %and3A_529 = arith.andi %eq3A_525, %ne3A_528 : vector<16xi1>
      %broadcast_in_dim3A_530 = arith.constant 2 : i32
      %broadcast_in_dim3A_531 = vector.broadcast %broadcast_in_dim3A_530 : i32 to vector<16xi32>
      %select_n3A_532 = arith.select %and3A_529, %broadcast_in_dim3A_531, %select_n3A_524 : vector<16xi1>, vector<16xi32>
      %eq3A_533 = arith.cmpf oeq, %mul3A_151, %max3A_420 : vector<16xf32>
      %ne3A_534 = arith.constant 1 : i32
      %ne3A_535 = vector.broadcast %ne3A_534 : i32 to vector<16xi32>
      %ne3A_536 = arith.cmpi ne, %select_n3A_338, %ne3A_535 : vector<16xi32>
      %and3A_537 = arith.andi %eq3A_533, %ne3A_536 : vector<16xi1>
      %broadcast_in_dim3A_538 = arith.constant 1 : i32
      %broadcast_in_dim3A_539 = vector.broadcast %broadcast_in_dim3A_538 : i32 to vector<16xi32>
      %select_n3A_540 = arith.select %and3A_537, %broadcast_in_dim3A_539, %select_n3A_532 : vector<16xi1>, vector<16xi32>
      %eq3A_541 = arith.cmpf oeq, %mul3A_150, %max3A_420 : vector<16xf32>
      %ne3A_542 = arith.constant 0 : i32
      %ne3A_543 = vector.broadcast %ne3A_542 : i32 to vector<16xi32>
      %ne3A_544 = arith.cmpi ne, %select_n3A_338, %ne3A_543 : vector<16xi32>
      %and3A_545 = arith.andi %eq3A_541, %ne3A_544 : vector<16xi1>
      %broadcast_in_dim3A_546 = arith.constant 0 : i32
      %broadcast_in_dim3A_547 = vector.broadcast %broadcast_in_dim3A_546 : i32 to vector<16xi32>
      %select_n3A_548 = arith.select %and3A_545, %broadcast_in_dim3A_547, %select_n3A_540 : vector<16xi1>, vector<16xi32>
      %add3A_549 = arith.addf %max3A_275, %max3A_420 : vector<16xf32>
      %div3A_550 = arith.constant 1.000000e+00 : f32
      %div3A_551 = vector.broadcast %div3A_550 : f32 to vector<16xf32>
      %div3A_552 = arith.divf %div3A_551, %add3A_549 : vector<16xf32>
      %mul3A_553 = arith.mulf %max3A_275, %div3A_552 : vector<16xf32>
      %swap3A_554 = arith.constant 0 : i32
      %swap3A_555 = arith.index_cast %swap3A_554 : i32 to index
      %swap3A_556 = arith.index_cast %mul3A_9 : i32 to index
      %swap3A_557 = tpu.vector_load %arg8[%swap3A_555, %swap3A_556] {strides = array<i32>} : memref<2x512xf32, #tpu.memory_space<vmem>>, vector<1x16xf32>,
      %swap3A_558 = vector.shape_cast %swap3A_557 : vector<1x16xf32> to vector<16xf32>
      %swap3A_559 = vector.shape_cast %mul3A_553 : vector<16xf32> to vector<1x16xf32>
      tpu.vector_store %arg8[%swap3A_555, %swap3A_556], %swap3A_559 {strides = array<i32>} : memref<2x512xf32, #tpu.memory_space<vmem>>, vector<1x16xf32>,
      %mul3A_560 = arith.mulf %max3A_420, %div3A_552 : vector<16xf32>
      %swap3A_561 = arith.constant 1 : i32
      %swap3A_562 = arith.index_cast %swap3A_561 : i32 to index
      %swap3A_563 = arith.index_cast %mul3A_9 : i32 to index
      %swap3A_564 = tpu.vector_load %arg8[%swap3A_562, %swap3A_563] {strides = array<i32>} : memref<2x512xf32, #tpu.memory_space<vmem>>, vector<1x16xf32>,
      %swap3A_565 = vector.shape_cast %swap3A_564 : vector<1x16xf32> to vector<16xf32>
      %swap3A_566 = vector.shape_cast %mul3A_560 : vector<16xf32> to vector<1x16xf32>
      tpu.vector_store %arg8[%swap3A_562, %swap3A_563], %swap3A_566 {strides = array<i32>} : memref<2x512xf32, #tpu.memory_space<vmem>>, vector<1x16xf32>,
      %swap3A_567 = arith.constant 0 : i32
      %swap3A_568 = arith.index_cast %swap3A_567 : i32 to index
      %swap3A_569 = arith.index_cast %mul3A_9 : i32 to index
      %swap3A_570 = tpu.vector_load %arg9[%swap3A_568, %swap3A_569] {strides = array<i32>} : memref<2x512xi32, #tpu.memory_space<vmem>>, vector<1x16xi32>,
      %swap3A_571 = vector.shape_cast %swap3A_570 : vector<1x16xi32> to vector<16xi32>
      %swap3A_572 = vector.shape_cast %select_n3A_338 : vector<16xi32> to vector<1x16xi32>
      tpu.vector_store %arg9[%swap3A_568, %swap3A_569], %swap3A_572 {strides = array<i32>} : memref<2x512xi32, #tpu.memory_space<vmem>>, vector<1x16xi32>,
      %swap3A_573 = arith.constant 1 : i32
      %swap3A_574 = arith.index_cast %swap3A_573 : i32 to index
      %swap3A_575 = arith.index_cast %mul3A_9 : i32 to index
      %swap3A_576 = tpu.vector_load %arg9[%swap3A_574, %swap3A_575] {strides = array<i32>} : memref<2x512xi32, #tpu.memory_space<vmem>>, vector<1x16xi32>,
      %swap3A_577 = vector.shape_cast %swap3A_576 : vector<1x16xi32> to vector<16xi32>
      %swap3A_578 = vector.shape_cast %select_n3A_548 : vector<16xi32> to vector<1x16xi32>
      tpu.vector_store %arg9[%swap3A_574, %swap3A_575], %swap3A_578 {strides = array<i32>} : memref<2x512xi32, #tpu.memory_space<vmem>>, vector<1x16xi32>,
    }
    %scan3A_6 = arith.constant 32 : i32
    "tpu.region"() ({
      %run_scoped3A = tpu.sem_alloc : memref<!tpu.dma_semaphore, #tpu.memory_space<semaphore_mem>>
      %dma_start3A = arith.constant 0 : i32
      %dma_start3A_7 = tpu.memref_slice %arg3[%dma_start3A, %mul3A_2] : memref<16x16384xf32, #tpu.memory_space<hbm>> -> memref<16x512xf32, #tpu.memory_space<hbm>>
      %dma_start3A_8 = arith.constant 0 : i32
      %dma_start3A_9 = tpu.memref_slice %arg3[%dma_start3A_8, %mul3A_2] : memref<16x16384xf32, #tpu.memory_space<hbm>> -> memref<16x512xf32, #tpu.memory_space<hbm>>
      tpu.enqueue_dma source(%arg7 : memref<16x512xf32, #tpu.memory_space<vmem>>) target(%dma_start3A_9 : memref<16x512xf32, #tpu.memory_space<hbm>>) target_semaphore(%run_scoped3A : memref<!tpu.dma_semaphore, #tpu.memory_space<semaphore_mem>>)
      %dma_wait3A = arith.constant 0 : i32
      %dma_wait3A_10 = tpu.memref_slice %arg3[%dma_wait3A, %mul3A_2] : memref<16x16384xf32, #tpu.memory_space<hbm>> -> memref<16x512xf32, #tpu.memory_space<hbm>>
      %dma_wait3A_11 = arith.constant 0 : i32
      %dma_wait3A_12 = tpu.memref_slice %arg3[%dma_wait3A_11, %mul3A_2] : memref<16x16384xf32, #tpu.memory_space<hbm>> -> memref<16x512xf32, #tpu.memory_space<hbm>>
      tpu.wait_dma2 semaphore(%run_scoped3A : memref<!tpu.dma_semaphore, #tpu.memory_space<semaphore_mem>>) src(%arg7 : memref<16x512xf32, #tpu.memory_space<vmem>>) dst(%dma_wait3A_12 : memref<16x512xf32, #tpu.memory_space<hbm>>)
      tpu.yield
    }) : () -> ()
    "tpu.region"() ({
      %run_scoped3A = tpu.sem_alloc : memref<!tpu.dma_semaphore, #tpu.memory_space<semaphore_mem>>
      %dma_start3A = arith.constant 0 : i32
      %dma_start3A_7 = tpu.memref_slice %arg4[%dma_start3A, %mul3A_2] : memref<2x16384xf32, #tpu.memory_space<hbm>> -> memref<2x512xf32, #tpu.memory_space<hbm>>
      %dma_start3A_8 = arith.constant 0 : i32
      %dma_start3A_9 = tpu.memref_slice %arg4[%dma_start3A_8, %mul3A_2] : memref<2x16384xf32, #tpu.memory_space<hbm>> -> memref<2x512xf32, #tpu.memory_space<hbm>>
      tpu.enqueue_dma source(%arg8 : memref<2x512xf32, #tpu.memory_space<vmem>>) target(%dma_start3A_9 : memref<2x512xf32, #tpu.memory_space<hbm>>) target_semaphore(%run_scoped3A : memref<!tpu.dma_semaphore, #tpu.memory_space<semaphore_mem>>)
      %dma_wait3A = arith.constant 0 : i32
      %dma_wait3A_10 = tpu.memref_slice %arg4[%dma_wait3A, %mul3A_2] : memref<2x16384xf32, #tpu.memory_space<hbm>> -> memref<2x512xf32, #tpu.memory_space<hbm>>
      %dma_wait3A_11 = arith.constant 0 : i32
      %dma_wait3A_12 = tpu.memref_slice %arg4[%dma_wait3A_11, %mul3A_2] : memref<2x16384xf32, #tpu.memory_space<hbm>> -> memref<2x512xf32, #tpu.memory_space<hbm>>
      tpu.wait_dma2 semaphore(%run_scoped3A : memref<!tpu.dma_semaphore, #tpu.memory_space<semaphore_mem>>) src(%arg8 : memref<2x512xf32, #tpu.memory_space<vmem>>) dst(%dma_wait3A_12 : memref<2x512xf32, #tpu.memory_space<hbm>>)
      tpu.yield
    }) : () -> ()
    "tpu.region"() ({
      %run_scoped3A = tpu.sem_alloc : memref<!tpu.dma_semaphore, #tpu.memory_space<semaphore_mem>>
      %dma_start3A = arith.constant 0 : i32
      %dma_start3A_7 = tpu.memref_slice %arg5[%dma_start3A, %mul3A_2] : memref<2x16384xi32, #tpu.memory_space<hbm>> -> memref<2x512xi32, #tpu.memory_space<hbm>>
      %dma_start3A_8 = arith.constant 0 : i32
      %dma_start3A_9 = tpu.memref_slice %arg5[%dma_start3A_8, %mul3A_2] : memref<2x16384xi32, #tpu.memory_space<hbm>> -> memref<2x512xi32, #tpu.memory_space<hbm>>
      tpu.enqueue_dma source(%arg9 : memref<2x512xi32, #tpu.memory_space<vmem>>) target(%dma_start3A_9 : memref<2x512xi32, #tpu.memory_space<hbm>>) target_semaphore(%run_scoped3A : memref<!tpu.dma_semaphore, #tpu.memory_space<semaphore_mem>>)
      %dma_wait3A = arith.constant 0 : i32
      %dma_wait3A_10 = tpu.memref_slice %arg5[%dma_wait3A, %mul3A_2] : memref<2x16384xi32, #tpu.memory_space<hbm>> -> memref<2x512xi32, #tpu.memory_space<hbm>>
      %dma_wait3A_11 = arith.constant 0 : i32
      %dma_wait3A_12 = tpu.memref_slice %arg5[%dma_wait3A_11, %mul3A_2] : memref<2x16384xi32, #tpu.memory_space<hbm>> -> memref<2x512xi32, #tpu.memory_space<hbm>>
      tpu.wait_dma2 semaphore(%run_scoped3A : memref<!tpu.dma_semaphore, #tpu.memory_space<semaphore_mem>>) src(%arg9 : memref<2x512xi32, #tpu.memory_space<vmem>>) dst(%dma_wait3A_12 : memref<2x512xi32, #tpu.memory_space<hbm>>)
      tpu.yield
    }) : () -> ()
    return
  }
}

module attributes {stable_mosaic.version = 14 : i64} {
  func.func @_logits_block(%arg0: i32, %arg1: memref<1024x2048xf32, #tpu.memory_space<vmem>>, %arg2: memref<2048x16xf32, #tpu.memory_space<vmem>>, %arg3: memref<1x16xf32, #tpu.memory_space<vmem>>, %arg4: memref<16x1024xf32, #tpu.memory_space<vmem>>) attributes {dimension_semantics = [#tpu.dimension_semantics<parallel>], iteration_bounds = array<i64: 16>, scalar_prefetch = 0 : i64, scratch_operands = 0 : i64, tpu.core_type = #tpu.core_type<tc>, window_params = [{transform_indices = @transform_0, window_bounds = array<i64: 1024, 2048>}, {pipeline_mode = #tpu.pipeline_mode<synchronous>, transform_indices = @transform_1, window_bounds = array<i64: 2048, 16>}, {pipeline_mode = #tpu.pipeline_mode<synchronous>, transform_indices = @transform_2, window_bounds = array<i64: 1, 16>}, {transform_indices = @transform_3, window_bounds = array<i64: 16, 1024>}]} {
    %get3A = arith.constant 0 : index
    %get3A_0 = arith.constant 0 : index
    %get3A_1 = vector.load %arg1[%get3A, %get3A_0] : memref<1024x2048xf32, #tpu.memory_space<vmem>>, vector<1024x2048xf32>
    %get3A_2 = arith.constant 0 : index
    %get3A_3 = arith.constant 0 : index
    %get3A_4 = vector.load %arg2[%get3A_2, %get3A_3] : memref<2048x16xf32, #tpu.memory_space<vmem>>, vector<2048x16xf32>
    %dot_general3A = arith.constant dense<0.000000e+00> : vector<1024x16xf32>
    %dot_general3A_5 = tpu.matmul %get3A_1, %get3A_4, %dot_general3A {dimension_numbers = #tpu.dot_dimension_numbers<[1], [0], [0], [1], [0, 0, 1, 1], [], []>, transpose_lhs_hint = false} : vector<1024x2048xf32>, vector<2048x16xf32>, vector<1024x16xf32> -> vector<1024x16xf32>
    %get3A_6 = arith.constant 0 : index
    %get3A_7 = arith.constant 0 : index
    %get3A_8 = vector.load %arg3[%get3A_6, %get3A_7] : memref<1x16xf32, #tpu.memory_space<vmem>>, vector<1x16xf32>
    %add3A = vector.broadcast %get3A_8 : vector<1x16xf32> to vector<1024x16xf32>
    %add3A_9 = arith.addf %dot_general3A_5, %add3A : vector<1024x16xf32>
    %transpose3A = tpu.transpose %add3A_9, [1, 0] : vector<1024x16xf32> -> vector<16x1024xf32>
    %swap3A = arith.constant 0 : index
    %swap3A_10 = arith.constant 0 : index
    %swap3A_11 = vector.load %arg4[%swap3A, %swap3A_10] : memref<16x1024xf32, #tpu.memory_space<vmem>>, vector<16x1024xf32>
    tpu.vector_store %arg4[%swap3A, %swap3A_10], %transpose3A {strides = array<i32>} : memref<16x1024xf32, #tpu.memory_space<vmem>>, vector<16x1024xf32>,
    return
  }
  func.func @transform_0(%arg0: i32) -> (i32, i32) {
    %c0_i32 = arith.constant 0 : i32
    %c0_i32_0 = arith.constant 0 : i32
    return %arg0, %c0_i32 : i32, i32
  }
  func.func @transform_1(%arg0: i32) -> (i32, i32) {
    %c0_i32 = arith.constant 0 : i32
    %c0_i32_0 = arith.constant 0 : i32
    %c0_i32_1 = arith.constant 0 : i32
    return %c0_i32, %c0_i32_0 : i32, i32
  }
  func.func @transform_2(%arg0: i32) -> (i32, i32) {
    %c0_i32 = arith.constant 0 : i32
    %c0_i32_0 = arith.constant 0 : i32
    %c0_i32_1 = arith.constant 0 : i32
    return %c0_i32, %c0_i32_0 : i32, i32
  }
  func.func @transform_3(%arg0: i32) -> (i32, i32) {
    %c0_i32 = arith.constant 0 : i32
    %c0_i32_0 = arith.constant 0 : i32
    return %c0_i32, %arg0 : i32, i32
  }
}

</mosaic_0001>

<sc_bundles>
// kernel: kernel.4.cloned.1.call-start
scs
__scs_entry_jumppad:
0x0: {  	(pc) =	sbr.rel $0x88, $3  }
0x1: {  	(tag) =	ssettag $0x0;
	lr =	simm.s32 $0x1  }
0x2: {  	[smem:$0x3F9E] =	sst lr;
	_ =	strace $0xD0000000  }
0x3: {  	_ = 	snop  }
0x4: {  	_ = 	snop  }
0x5: {  	_ = 	snop  }
0x6: {  	_ = 	snop  }
0x7: {  	_ = 	snop  }
__scs_overlays_trampoline_lowered:
0x8: {  	[smem:$0x3FAD] =	sst s0  }
0x9: {  	[smem:$0x3FAE] =	sst s1  }
0xa: {  	[smem:$0x3FAF] =	sst s2  }
0xb: {  	[smem:$0x3FB0] =	sst s3  }
0xc: {  	[smem:$0x3FB1] =	sst s4  }
0xd: {  	[smem:$0x3FB2] =	sst s5  }
0xe: {  	[smem:$0x3FB3] =	sst s6  }
0xf: {  	[smem:$0x3FB4] =	sst s7  }
0x10: {  	[smem:$0x3FB5] =	sst s8  }
0x11: {  	[smem:$0x3FB6] =	sst s9;
	s0 =	simm.s32 @!p0 $0x0  }
0x12: {  	s1 =	sld [smem:$0x3F9C];
	s0 =	simm.s32 @p0 $0x1  }
0x13: {  	[smem:$0x3FB7] =	sst s0;
	s0 =	simm.s32 @!p1 $0x0  }
0x14: {  	s2 =	sld [smem:$0x3F9B];
	s0 =	simm.s32 @p1 $0x1  }
0x15: {  	[smem:$0x3FB8] =	sst s0;
	s0 =	simm.s32 @!p2 $0x0  }
0x16: {  	s3 =	sld [smem:$0x3FDB];
	s0 =	simm.s32 @p2 $0x1  }
0x17: {  	s4 =	simm.s32 $0x1BF5;
	[smem:$0x3FBA] =	sst s0  }
0x18: {  	s0 =	sld [smem:$0x3F9D];
	_ =	swait.ge [sflag:s4], $0x0  }
0x19: {  	s7 =	sld [smem:$0x3F9E]  }
0x1a: {  	s8 =	sadd.s32 $0xFFFFE003, lr  }
0x1b: {  	s9 =	sadd.s32 $0xFFFFFEF7, lr;
	s5 =	simm.s32 $0xFFFFFFFF;
	p2 =	slt.u32 s8, $0xFFFFF086  }
0x1c: {  	p1 =	slt.u32 s9, $0xF7A;
	s5 =	simm.s32 @!p2 $0x0  }
0x1d: {  	s5 =	simm.s32 @p1 $0x1;
	p0 =	seq.s32 s7, s2  }
0x1e: {  	s7 =	smul.u32 @!p0 $0xF7A, s2;
	p2 =	seq.s32 @!p0 s5, $0x0  }
0x1f: {  	s9 =	smul.u32 $0xF7A, s1;
	s8 =	simm.s32 @!p0 $0x1BF5;
	p2 =	por !p2, p0  }
0x20: {  	[sflag:s8] =	ssyncset.s32 @!p0 $0xFFFFF086;
	s6 =	sadd.s32 @!p0 s3, s7;
	s7 =	simm.s32 @!p0 $0x108  }
0x21: {  	s3 =	sadd.s32 s3, s9;
	s6 =	sadd.s32 @!p0 $0x88, s6;
	s7 =	simm.s32 @p2 $0x1082  }
0x22: {  	[simem:s7], [sflag:s8] =	dma.local @!p0 [hbm:s6], $0xF7A  }
0x23: {  	s9 =	sor.u32 $0xD0000000, s2;
	s6 =	simm.s32 $0x108;
	_ =	swait.ge @!p0 [sflag:s8], $0x0  }
0x24: {  	s3 =	sadd.s32 $0x88, s3;
	s6 =	simm.s32 @!p1 $0x1082;
	[sflag:s4] =	ssyncset.s32 $0xFFFFF086  }
0x25: {  	[simem:s6], [sflag:s4] =	dma.local [hbm:s3], $0xF7A  }
0x26: {  	[smem:$0x3F9E] =	sst s1;
	(tag) =	ssettag s2;
	_ =	strace s9  }
0x27: {  	s1 =	sld [smem:$0x3FAE]  }
0x28: {  	s2 =	sld [smem:$0x3FAF]  }
0x29: {  	s4 =	sld [smem:$0x3FB1]  }
0x2a: {  	p0 =	seq.s32 s5, $0x0;
	s5 =	sld [smem:$0x3FB2]  }
0x2b: {  	s6 =	sld [smem:$0x3FB3]  }
0x2c: {  	s7 =	sld [smem:$0x3FB4]  }
0x2d: {  	s3 =	simm.s32 $0x108;
	s8 =	sld [smem:$0x3FB5]  }
0x2e: {  	s3 =	simm.s32 @!p0 $0x1082;
	s9 =	sld [smem:$0x3FB6]  }
0x2f: {  	lr =	sadd.s32 s0, s3;
	s0 =	sld [smem:$0x3FAD]  }
0x30: {  	s3 =	sld [smem:$0x3FB0]  }
0x31: {  	[smem:$0x3FB9] =	sst s10  }
0x32: {  	s10 =	sld [smem:$0x3FB7];
	_ =	sdelay $0x3  }
0x33: {  	p0 =	seq.s32 s10, $0x1;
	s10 =	sld [smem:$0x3FB9];
	_ =	sdelay $0x3  }
0x34: {  	[smem:$0x3FB9] =	sst s10  }
0x35: {  	s10 =	sld [smem:$0x3FB8];
	_ =	sdelay $0x3  }
0x36: {  	p1 =	seq.s32 s10, $0x1;
	s10 =	sld [smem:$0x3FB9];
	_ =	sdelay $0x3  }
0x37: {  	[smem:$0x3FB9] =	sst s10  }
0x38: {  	s10 =	sld [smem:$0x3FBA]  }
0x39: {  	_ = 	snop;
	(pc) =	sbr.ind lr, $3  }
0x3a: {  	_ = 	snop  }
0x3b: {  	_ = 	snop  }
0x3c: {  	p2 =	seq.s32 s10, $0x1;
	s10 =	sld [smem:$0x3FB9]  }
0x3d: {  	_ =	shalt  }
0x3e: {  	_ =	shalt  }
0x3f: {  	_ =	shalt  }
0x40: {  	_ =	shalt  }
0x41: {  	_ =	shalt  }
0x42: {  	_ =	shalt  }
0x43: {  	_ =	shalt  }
0x44: {  	_ =	shalt  }
0x45: {  	_ =	shalt  }
0x46: {  	_ =	shalt  }
0x47: {  	_ =	shalt  }
0x48: {  	_ =	shalt  }
0x49: {  	_ =	shalt  }
0x4a: {  	_ =	shalt  }
0x4b: {  	_ =	shalt  }
0x4c: {  	_ =	shalt  }
0x4d: {  	_ =	shalt  }
0x4e: {  	_ =	shalt  }
0x4f: {  	_ =	shalt  }
0x50: {  	_ =	shalt  }
0x51: {  	_ =	shalt  }
0x52: {  	_ =	shalt  }
0x53: {  	_ =	shalt  }
0x54: {  	_ =	shalt  }
0x55: {  	_ =	shalt  }
0x56: {  	_ =	shalt  }
0x57: {  	_ =	shalt  }
0x58: {  	_ =	shalt  }
0x59: {  	_ =	shalt  }
0x5a: {  	_ =	shalt  }
0x5b: {  	_ =	shalt  }
0x5c: {  	_ =	shalt  }
0x5d: {  	_ =	shalt  }
0x5e: {  	_ =	shalt  }
0x5f: {  	_ =	shalt  }
0x60: {  	_ =	shalt  }
0x61: {  	_ =	shalt  }
0x62: {  	_ =	shalt  }
0x63: {  	_ =	shalt  }
0x64: {  	_ =	shalt  }
0x65: {  	_ =	shalt  }
0x66: {  	_ =	shalt  }
0x67: {  	_ =	shalt  }
0x68: {  	_ =	shalt  }
0x69: {  	_ =	shalt  }
0x6a: {  	_ =	shalt  }
0x6b: {  	_ =	shalt  }
0x6c: {  	_ =	shalt  }
0x6d: {  	_ =	shalt  }
0x6e: {  	_ =	shalt  }
0x6f: {  	_ =	shalt  }
0x70: {  	_ =	shalt  }
0x71: {  	_ =	shalt  }
0x72: {  	_ =	shalt  }
0x73: {  	_ =	shalt  }
0x74: {  	_ =	shalt  }
0x75: {  	_ =	shalt  }
0x76: {  	_ =	shalt  }
0x77: {  	_ =	shalt  }
0x78: {  	_ =	shalt  }
0x79: {  	_ =	shalt  }
0x7a: {  	_ =	shalt  }
0x7b: {  	_ =	shalt  }
0x7c: {  	_ =	shalt  }
0x7d: {  	_ =	shalt  }
0x7e: {  	_ =	shalt  }
0x7f: {  	_ =	shalt  }
0x80: {  	_ =	shalt  }
0x81: {  	_ =	shalt  }
0x82: {  	_ =	shalt  }
0x83: {  	_ =	shalt  }
0x84: {  	_ =	shalt  }
0x85: {  	_ =	shalt  }
0x86: {  	_ =	shalt  }
0x87: {  	_ =	shalt  }
.Lfunc_end0:
.L_simem_size_0:
called_computation_lowered:
.L_overlay_start_0:
0x88: {  	s2 =	sld [smem:$0x3FD9]  }
0x89: {  	s3 =	sld [smem:$0x3FFE];
	_ =	sdelay $0x1  }
0x8a: {  	s1 =	srdreg.scid  }
0x8b: {  	s0 =	sand.u32 $0x1, s1  }
0x8c: {  	s14 =	sshll.u32 s0, $0xA;
	s2 =	sadd.s32 s3, s2  }
0x8d: {  	s2 =	sadd.s32 s2, s14  }
0x8e: {  	[smem:$0x3FC5] =	sst s2  }
0x8f: {  	_ = 	snop  }
0x90: {  	s2 =	sld [smem:$0x3FD0];
	_ =	sdelay $0x2  }
0x91: {  	s15 =	simm.s32 $0xA;
	s4 =	simm.s32 $0x10  }
0x92: {  	[smem:s4], [sflag:s15] =	dma.local [hbm:s2], $0x1  }
0x93: {  	_ =	swait.eq [sflag:s15], $0x1  }
0x94: {  	[sflag:s15] =	ssyncset.done $0x0  }
0x95: {  	s16 =	sld [smem:$0x12];
	[sflag:s15] =	ssyncadd.s32 $0xFFFFFFFF  }
0x96: {  	s17 =	sld [smem:$0x13];
	(tm) =	ssettm $0x1  }
0x97: {  	s18 =	sld [smem:$0x3FFB];
	_ =	sdelay $0x3  }
0x98: {  	_ =	strace s18  }
0x99: {  	s4 =	sld [smem:$0x3FFC];
	_ =	sdelay $0x3  }
0x9a: {  	_ =	strace s4  }
0x9b: {  	s4 =	sld [smem:$0x3FFD];
	_ =	sdelay $0x3  }
0x9c: {  	_ =	strace s4  }
0x9d: {  	_ =	strace $0x8FFFFFFF  }
0x9e: {  	s19 =	sld [smem:$0x3FDB];
	_ =	sdelay $0x1  }
0x9f: {  	s5 =	simm.s32 $_scs_section_size  }
0xa0: {  	s6 =	simm.s32 $_size__tile_overlayer_lowered;
	s7 =	simm.s32 $_tile_overlayer_lowered  }
0xa1: {  	s22 =	simm.s32 $0x1BFF;
	s21 =	sshll.u32 s7, $0x1;
	s4 =	sadd.s32 s5, s19  }
0xa2: {  	s8 =	simm.s32 $0x0;
	s20 =	sshll.u32 s6, $0x1;
	s6 =	sadd.s32 s21, s4  }
0xa3: {  	[timem:s8], [sflag:s22] =	dma.local [hbm:s6], s20  }
0xa4: {  	_ =	swait.ge [sflag:s22], s20  }
0xa5: {  	s5 =	ssub.s32 $0x0, s20;
	[sflag:s22] =	ssyncset.done $0x0  }
0xa6: {  	[sflag:s22] =	ssyncadd.s32 s5;
	_ =	sdelay $0x1  }
0xa7: {  	s23 =	simm.s32 $0x1B8B  }
0xa8: {  	_ =	swait.ge [sflag:s23], $0x1  }
0xa9: {  	[sflag:s23] =	ssyncset.done $0x0  }
0xaa: {  	s25 =	simm.s32 $0x1B8E;
	s24 =	sld [smem:$0x3FFE];
	[sflag:s23] =	ssyncadd.s32 $0xFFFFFFFF  }
0xab: {  	s26 =	simm.s32 $execute0_lowered;
	[smem:$0x3FD2] =	sst s25  }
0xac: {  	s6 =	sshll.u32 s26, $0x1;
	_ =	strace $0x80000046;
	[dreg:$0x1] =	wrdreg $0xFFFFFFFF  }
0xad: {  	s28 =	simm.s32 $_size_execute0_lowered;
	s4 =	sadd.s32 s4, s6;
	[dreg:$0x0] =	wrdreg $0x0  }
0xae: {  	s6 =	sshll.u32 s28, $0x1;
	[dreg:$0x2] =	wrdreg s4  }
0xaf: {  	[dreg:$0x3] =	wrdreg s6  }
0xb0: {  	[dreg:$0x4] =	wrdreg $0xC0  }
0xb1: {  	_ =	task [dreg:s8], $0x5FFFF  }
0xb2: {  	[dreg:$0x1] =	wrdreg $0xFFFFFFFF  }
0xb3: {  	[dreg:$0x0] =	wrdreg $0x60  }
0xb4: {  	[dreg:$0x2] =	wrdreg s24  }
0xb5: {  	[dreg:$0x3] =	wrdreg s16  }
0xb6: {  	[dreg:$0x4] =	wrdreg s17  }
0xb7: {  	[dreg:$0x5] =	wrdreg $0x9  }
0xb8: {  	_ =	task.clear_ibuf [dreg:s8], $0x6FFFF;
	_ =	strace $0x90000046  }
0xb9: {  	s29 =	simm.s32 $0x9;
	_ =	strace $0x80000048  }
0xba: {  	_ =	swait.ge [sflag:s29], $0x1  }
0xbb: {  	[sflag:s29] =	ssyncadd.s32 $0xFFFFFFFF  }
0xbc: {  	_ =	strace $0x90000048  }
0xbd: {  	_ =	sfence  }
0xbe: {  	s30 =	sld [smem:$0x0];
	_ =	sdelay $0x2  }
0xbf: {  	s31 =	sshll.u32 s1, $0xD;
	s1 =	sshrl.u32 s1, $0x2  }
0xc0: {  	s3 =	sand.u32 $0x4000, s31;
	s1 =	sadd.s32 s1, s30  }
0xc1: {  	s0 =	sor.u32 s3, s0;
	s1 =	sshll.u32 s1, $0x11  }
0xc2: {  	s0 =	sor.u32 s1, s0  }
0xc3: {  	s0 =	sadd.s32 $0x8F2B, s0  }
0xc4: {  	[sflag:s0] =	ssyncadd.remote.s32 $0x1  }
0xc5: {  	_ =	sfence.sel $0xFFFF  }
0xc6: {  	[dreg:$0x0] =	wrdreg $0xFFFFFFFF;
	(pc) =	sbr.abs _section_cstart, $3  }
0xc7: {  	[dreg:$0x1] =	wrdreg $0xFFFFFFFF  }
0xc8: {  	_ =	task.clear_ibuf [dreg:s8], $0x2FFFF;
	_ =	strace $0x9FFFFFFF  }
0xc9: {  	(tm) =	ssettm $0x7FFFFFFF  }
tec
execute0_lowered:
.L_overlay_start_1:
0x0: {  	(tag) =	ssettag $0x1  }
0x1: {  	s3 =	rddreg [dreg:$0x0]  }
0x2: {  	s5 =	rddreg [dreg:$0x1]  }
0x3: {  	s6 =	rddreg [dreg:$0x2]  }
0x4: {  	s0 =	rddreg [dreg:$0x3];
	s2 =	simm.s32 $0x0;
	s4 =	srdreg.scid  }
0x5: {  	s1 =	stileid.u32;
	s10 =	simm.s32 $0x1;
	s11 =	simm.s32 $0x2000  }
0x6: {  	s12 =	simm.s32 $0x4000;
	s13 =	simm.s32 $0x4400;
	s4 =	sand.u32 $0x1, s4  }
0x7: {  	s14 =	simm.s32 $0x0;
	s7 =	sshll.u32 s1, $0xA;
	s8 =	sshll.u32 s4, $0x9  }
0x8: {  	[smem:$0x7FF] =	sst s2;
	s4 =	ssub.s32 $0x2, s4;
	s7 =	sor.u32 s8, s7  }
0x9: {  	_ =	strace $0x80000047;
	s31 =	sshrl.u32 s4, $0x1;
	s9 =	sadd.s32 s7, s3  }
0xa: {  	s8 =	ssub.s32 s4, s31;
	s7 =	sshrl.u32 s7, $0x2;
	s3 =	sadd.s32 $0xE00, s9  }
0xb: {  	s4 =	sadd.s32 $0x8E00, s9;
	s5 =	sadd.s32 s5, s7;
	s6 =	sadd.s32 s6, s7  }
0xc: {  	v0 =	vimm.s32 $0x10;
	s7 =	smax.u32 s8, $0x1;
	s8 =	simm.s32 $0x1000;
	s9 =	simm.s32 $0x20000  }
.LBB2_1:
0xd: {  	[tilespmem:s2], [sflag:$0x1] =	stream.strided.gather [hbm4b:s3+s8], $0x2000, s9, s8, $0x38;
	[tilespmem:$0x4800] =	vst v63  }
0xe: {  	_ =	swait.ge [sflag:s10], $0x2000  }
0xf: {  	s16 =	simm.s32 $0x0;
	s15 =	sand.u32 $0x70, s2;
	[sflag:s10] =	ssyncset.done $0x0  }
0x10: {  	s16 =	sor.u32 s15, s16;
	[sflag:s10] =	ssyncadd.s32 $0xFFFFE000  }
0x11: {  	v1 =	vld [tilespmem:s16+$0x0]  }
0x12: {  	s19 =	simm.s32 $0x0;
	v2 =	vld [tilespmem:s16+$0x80]  }
0x13: {  	s20 =	sor.u32 $0x180, s19;
	v3 =	vld [tilespmem:s16+$0x100]  }
0x14: {  	v4 =	vld [tilespmem:s20+$0x0]  }
0x15: {  	v5 =	vld [tilespmem:s16+$0x200]  }
0x16: {  	v6 =	vld [tilespmem:s16+$0x280]  }
0x17: {  	s17 =	sor.u32 $0x380, s19;
	v7 =	vld [tilespmem:s16+$0x300];
	v8 =	vmax.f32 v1, v2  }
0x18: {  	s18 =	sor.u32 $0x1000, s16;
	v9 =	vld [tilespmem:s17+$0x0];
	v8 =	vmax.f32 v8, v3  }
0x19: {  	s21 =	sor.u32 $0x1080, s16;
	v10 =	vld [tilespmem:s18+$0x0];
	v8 =	vmax.f32 v8, v4  }
0x1a: {  	s22 =	sor.u32 $0x1100, s16;
	v11 =	vld [tilespmem:s21+$0x0];
	v8 =	vmax.f32 v8, v5  }
0x1b: {  	s26 =	sor.u32 $0x1180, s19;
	v12 =	vld [tilespmem:s22+$0x0];
	v8 =	vmax.f32 v8, v6  }
0x1c: {  	s28 =	sor.u32 $0x1200, s16;
	v13 =	vld [tilespmem:s26+$0x0];
	v8 =	vmax.f32 v8, v7  }
0x1d: {  	s29 =	sor.u32 $0x1280, s16;
	v14 =	vld [tilespmem:s28+$0x0];
	v8 =	vmax.f32 v8, v9  }
0x1e: {  	s30 =	sor.u32 $0x1300, s16;
	v15 =	vld [tilespmem:s29+$0x0];
	v8 =	vmax.f32 v8, v10  }
0x1f: {  	s19 =	sor.u32 $0x1380, s19;
	v16 =	vld [tilespmem:s30+$0x0];
	v8 =	vmax.f32 v8, v11  }
0x20: {  	v17 =	vld [tilespmem:s19+$0x0];
	v8 =	vmax.f32 v8, v12  }
0x21: {  	v8 =	vmax.f32 v8, v13  }
0x22: {  	v8 =	vmax.f32 v8, v14  }
0x23: {  	v8 =	vmax.f32 v8, v15  }
0x24: {  	v8 =	vmax.f32 v8, v16  }
0x25: {  	v8 =	vmax.f32 v8, v17  }
0x26: {  	v1 =	vsub.f32 v1, v8  }
0x27: {  	v2 =	vsub.f32 v2, v8  }
0x28: {  	v1 =	vmul.f32 $1.442695020e+00, v1  }
0x29: {  	v3 =	vsub.f32 v3, v8;
	v2 =	vmul.f32 $1.442695020e+00, v2  }
0x2a: {  	(erf) = vpow2.f32 v1  }
0x2b: {  	v3 =	vmul.f32 $1.442695020e+00, v3;
	v1 =	vsub.f32 v4, v8;
	(erf) = vpow2.f32 v2;
	_ =	sdelay $0x1  }
0x2c: {  	v2 =	vsub.f32 v5, v8;
	v1 =	vmul.f32 $1.442695020e+00, v1;
	(erf) = vpow2.f32 v3;
	_ =	sdelay $0x1  }
0x2d: {  	v3 =	vsub.f32 v6, v8;
	v2 =	vmul.f32 $1.442695020e+00, v2;
	(erf) = vpow2.f32 v1;
	_ =	sdelay $0x1  }
0x2e: {  	v1 =	vsub.f32 v7, v8;
	v3 =	vmul.f32 $1.442695020e+00, v3;
	(erf) = vpow2.f32 v2  }
0x2f: {  	v2 =	vsub.f32 v9, v8  }
0x30: {  	v1 =	vmul.f32 $1.442695020e+00, v1;
	v4 =	vpop (erf);
	(erf) = vpow2.f32 v3  }
0x31: {  	v2 =	vmul.f32 $1.442695020e+00, v2;
	v5 =	vpop (erf)  }
0x32: {  	v3 =	vsub.f32 v10, v8;
	(erf) = vpow2.f32 v1;
	v6 =	vadd.f32 v5, v4  }
0x33: {  	v1 =	vsub.f32 v11, v8;
	v7 =	vpop (erf)  }
0x34: {  	v3 =	vmul.f32 $1.442695020e+00, v3;
	(erf) = vpow2.f32 v2;
	v6 =	vadd.f32 v6, v7  }
0x35: {  	v2 =	vsub.f32 v12, v8;
	v9 =	vpop (erf)  }
0x36: {  	v1 =	vmul.f32 $1.442695020e+00, v1;
	(erf) = vpow2.f32 v3;
	v6 =	vadd.f32 v6, v9  }
0x37: {  	v3 =	vsub.f32 v13, v8;
	v10 =	vpop (erf)  }
0x38: {  	v2 =	vmul.f32 $1.442695020e+00, v2;
	(erf) = vpow2.f32 v1;
	v6 =	vadd.f32 v6, v10  }
0x39: {  	v1 =	vsub.f32 v14, v8;
	v11 =	vpop (erf)  }
0x3a: {  	v3 =	vmul.f32 $1.442695020e+00, v3;
	(erf) = vpow2.f32 v2;
	v6 =	vadd.f32 v6, v11  }
0x3b: {  	v1 =	vmul.f32 $1.442695020e+00, v1;
	v12 =	vpop (erf)  }
0x3c: {  	v2 =	vsub.f32 v15, v8;
	(erf) = vpow2.f32 v3;
	v6 =	vadd.f32 v6, v12  }
0x3d: {  	v3 =	vsub.f32 v16, v8;
	v13 =	vpop (erf)  }
0x3e: {  	v2 =	vmul.f32 $1.442695020e+00, v2;
	(erf) = vpow2.f32 v1;
	v6 =	vadd.f32 v6, v13  }
0x3f: {  	v1 =	vsub.f32 v17, v8;
	v14 =	vpop (erf)  }
0x40: {  	v3 =	vmul.f32 $1.442695020e+00, v3;
	(erf) = vpow2.f32 v2;
	v6 =	vadd.f32 v6, v14  }
0x41: {  	v15 =	vpop (erf)  }
0x42: {  	v1 =	vmul.f32 $1.442695020e+00, v1;
	(erf) = vpow2.f32 v3;
	v2 =	vadd.f32 v6, v15  }
0x43: {  	v16 =	vpop (erf)  }
0x44: {  	(erf) = vpow2.f32 v1;
	v2 =	vadd.f32 v2, v16  }
0x45: {  	v17 =	vpop (erf)  }
0x46: {  	v1 =	vadd.f32 v2, v17  }
0x47: {  	v18 =	vpop (erf)  }
0x48: {  	v1 =	vadd.f32 v1, v18  }
0x49: {  	v19 =	vpop (erf)  }
0x4a: {  	v1 =	vadd.f32 v1, v19  }
0x4b: {  	v20 =	vpop (erf)  }
0x4c: {  	v1 =	vadd.f32 v1, v20  }
0x4d: {  	v21 =	vpop (erf)  }
0x4e: {  	v1 =	vadd.f32 v1, v21;
	_ =	sdelay $0x1  }
0x4f: {  	(erf) = vrcp.f32 v1;
	_ =	sdelay $0x8  }
0x50: {  	v22 =	vpop (erf)  }
0x51: {  	v1 =	vmul.f32 v22, v4;
	v5 =	vmul.f32 v22, v5  }
0x52: {  	v2 =	vmul.f32 v22, v7  }
0x53: {  	v3 =	vmul.f32 v22, v9;
	v23 =	vmax.f32 v1, v5  }
0x54: {  	v4 =	vmul.f32 v22, v10;
	v7 =	vmax.f32 v23, v2  }
0x55: {  	v6 =	vmul.f32 v22, v11;
	v8 =	vmax.f32 v7, v3  }
0x56: {  	v7 =	vmul.f32 v22, v12;
	v9 =	vmax.f32 v8, v4  }
0x57: {  	v8 =	vmul.f32 v22, v13;
	v9 =	vmax.f32 v9, v6  }
0x58: {  	v10 =	vmul.f32 v22, v14;
	v9 =	vmax.f32 v9, v7  }
0x59: {  	v11 =	vmul.f32 v22, v15;
	v9 =	vmax.f32 v9, v8  }
0x5a: {  	v12 =	vmul.f32 v22, v16;
	v9 =	vmax.f32 v9, v10  }
0x5b: {  	v13 =	vmul.f32 v22, v17;
	v9 =	vmax.f32 v9, v11  }
0x5c: {  	v14 =	vmul.f32 v22, v18;
	v9 =	vmax.f32 v9, v12  }
0x5d: {  	v15 =	vmul.f32 v22, v19;
	v9 =	vmax.f32 v9, v13  }
0x5e: {  	v16 =	vmul.f32 v22, v20;
	v9 =	vmax.f32 v9, v14  }
0x5f: {  	v17 =	vmul.f32 v22, v21;
	v9 =	vmax.f32 v9, v15  }
0x60: {  	v9 =	vmax.f32 v9, v16  }
0x61: {  	v9 =	vmax.f32 v9, v17  }
0x62: {  	vm0 =	veq.f32 v17, v9  }
0x63: {  	v18 =	vsel vm0, $0xF, v0;
	vm0 =	veq.f32 v16, v9  }
0x64: {  	v18 =	vsel vm0, $0xE, v18;
	vm0 =	veq.f32 v15, v9  }
0x65: {  	v18 =	vsel vm0, $0xD, v18;
	vm0 =	veq.f32 v14, v9  }
0x66: {  	v18 =	vsel vm0, $0xC, v18;
	vm0 =	veq.f32 v13, v9  }
0x67: {  	v18 =	vsel vm0, $0xB, v18;
	vm0 =	veq.f32 v12, v9  }
0x68: {  	v18 =	vsel vm0, $0xA, v18;
	vm0 =	veq.f32 v11, v9  }
0x69: {  	vm1 =	veq.f32 v10, v9;
	v18 =	vsel vm0, $0x9, v18  }
0x6a: {  	vm0 =	veq.f32 v8, v9;
	v18 =	vsel vm1, $0x8, v18  }
0x6b: {  	vm1 =	veq.f32 v7, v9;
	v18 =	vsel vm0, $0x7, v18  }
0x6c: {  	vm0 =	veq.f32 v6, v9;
	v18 =	vsel vm1, $0x6, v18  }
0x6d: {  	vm1 =	veq.f32 v4, v9;
	v18 =	vsel vm0, $0x5, v18  }
0x6e: {  	vm0 =	veq.f32 v3, v9;
	v18 =	vsel vm1, $0x4, v18  }
0x6f: {  	vm1 =	veq.f32 v2, v9;
	v18 =	vsel vm0, $0x3, v18  }
0x70: {  	vm0 =	veq.f32 v5, v9;
	v18 =	vsel vm1, $0x2, v18  }
0x71: {  	vm1 =	veq.f32 v1, v9;
	v18 =	vsel vm0, $0x1, v18  }
0x72: {  	v18 =	vsel vm1, $0x0, v18  }
0x73: {  	vm0 =	veq.s32 v18, $0x1  }
0x74: {  	vm1 =	veq.s32 v18, $0x0;
	v19 =	vsel vm0, v1, v23  }
0x75: {  	v19 =	vsel vm1, v5, v19  }
0x76: {  	vm0 =	veq.s32 v18, $0x2;
	v19 =	vmax.f32 v19, v2  }
0x77: {  	[tilespmem:s16+$0x2000] =	vst v1;
	v20 =	vsel vm0, v23, v19  }
0x78: {  	[tilespmem:s16+$0x2100] =	vst v2;
	vm0 =	veq.s32 v18, $0x3;
	v20 =	vmax.f32 v20, v3  }
0x79: {  	[tilespmem:s16+$0x2080] =	vst v5;
	v19 =	vsel vm0, v19, v20  }
0x7a: {  	[tilespmem:s20+$0x2000] =	vst v3;
	vm0 =	veq.s32 v18, $0x4;
	v19 =	vmax.f32 v19, v4  }
0x7b: {  	[tilespmem:s16+$0x2200] =	vst v4;
	v20 =	vsel vm0, v20, v19  }
0x7c: {  	[tilespmem:s16+$0x2280] =	vst v6;
	vm0 =	veq.s32 v18, $0x5;
	v20 =	vmax.f32 v20, v6  }
0x7d: {  	[tilespmem:s16+$0x2300] =	vst v7;
	v19 =	vsel vm0, v19, v20  }
0x7e: {  	[tilespmem:s17+$0x2000] =	vst v8;
	vm0 =	veq.s32 v18, $0x6;
	v19 =	vmax.f32 v19, v7  }
0x7f: {  	[tilespmem:s16+$0x3080] =	vst v11;
	v20 =	vsel vm0, v20, v19  }
0x80: {  	[tilespmem:s16+$0x3100] =	vst v12;
	vm0 =	veq.s32 v18, $0x7;
	v20 =	vmax.f32 v20, v8  }
0x81: {  	[tilespmem:s16+$0x3000] =	vst v10;
	v19 =	vsel vm0, v19, v20  }
0x82: {  	[tilespmem:s26+$0x2000] =	vst v13;
	vm0 =	veq.s32 v18, $0x8;
	v19 =	vmax.f32 v19, v10  }
0x83: {  	[tilespmem:s16+$0x3200] =	vst v14;
	v20 =	vsel vm0, v20, v19  }
0x84: {  	[tilespmem:s16+$0x3300] =	vst v16;
	vm0 =	veq.s32 v18, $0x9;
	v20 =	vmax.f32 v20, v11  }
0x85: {  	s31 =	simm.s32 $0x0;
	[tilespmem:s16+$0x3280] =	vst v15;
	v19 =	vsel vm0, v19, v20  }
0x86: {  	s23 =	sor.u32 s15, s31;
	[tilespmem:s19+$0x2000] =	vst v17;
	vm0 =	veq.s32 v18, $0xA;
	v19 =	vmax.f32 v19, v12  }
0x87: {  	s15 =	simm.s32 $0x1;
	s16 =	simm.s32 $0x0;
	vm2 =	veq.s32 v18, $0xB;
	[tilespmem:s23+$0x4400] =	vst v18;
	v20 =	vsel vm0, v20, v19  }
.LBB2_2:
0x88: {  	v20 =	vmax.f32 v20, v13;
	vm0 =	vne.s32 v18, $0x1;
	v21 =	vimm.s32 $0x0  }
0x89: {  	vm5 =	veq.s32 v18, $0xC;
	vm6 =	vne.s32 v18, $0x6;
	vm8 =	veq.s32 v18, $0xD  }
0x8a: {  	vm7 =	vne.s32 v18, $0x7;
	vm9 =	vne.s32 v18, $0x9;
	v19 =	vsel vm2, v19, v20  }
0x8b: {  	vm10 =	veq.s32 v18, $0xE;
	vm11 =	vne.s32 v18, $0xA;
	v19 =	vmax.f32 v19, v14  }
0x8c: {  	vm12 =	vne.s32 v18, $0xC;
	vm13 =	vne.s32 v18, $0xB;
	v20 =	vsel vm5, v20, v19  }
0x8d: {  	vm14 =	vne.s32 v18, $0xD;
	v21 =	vsel vm0, $0xFFFFFFFF, v21;
	v20 =	vmax.f32 v20, v15  }
0x8e: {  	vm0 =	vne.s32 v18, $0x0;
	[tilespmem:$0x1FFE0] =	vst v21;
	v21 =	vimm.s32 $0x0;
	v19 =	vsel vm8, v19, v20  }
0x8f: {  	vm15 =	vne.s32 v18, $0xE;
	v21 =	vsel vm0, $0xFFFFFFFF, v21;
	v19 =	vmax.f32 v19, v16  }
0x90: {  	vm0 =	vne.s32 v18, $0x3;
	vm5 =	vne.s32 v18, $0x5;
	v20 =	vsel vm10, v20, v19  }
0x91: {  	[tilespmem:$0x1FFF0] =	vst v21;
	v21 =	vimm.s32 $0x0;
	vm10 =	veq.s32 v18, $0xF;
	v20 =	vmax.f32 v20, v17  }
0x92: {  	v21 =	vsel vm0, $0xFFFFFFFF, v21;
	vm8 =	vne.s32 v18, $0x8;
	v19 =	vsel vm10, v19, v20  }
0x93: {  	vm10 =	vne.s32 v18, $0xF;
	vm0 =	veq.f32 v17, v19;
	vm1 =	veq.f32 v16, v19  }
0x94: {  	vm2 =	veq.f32 v12, v19;
	vm0 =	vmand vm10, vm0;
	vm10 =	veq.f32 v14, v19  }
0x95: {  	v14 =	vsel vm0, $0xF, v0;
	vm0 =	vmand vm15, vm1;
	vm15 =	veq.f32 v15, v19  }
0x96: {  	vm1 =	veq.f32 v13, v19;
	v13 =	vsel vm0, $0xE, v14;
	vm14 =	vmand vm14, vm15  }
0x97: {  	vm10 =	vmand vm12, vm10;
	vm0 =	veq.f32 v5, v19;
	v5 =	vsel vm14, $0xD, v13  }
0x98: {  	vm2 =	vmand vm11, vm2;
	vm1 =	vmand vm13, vm1;
	v5 =	vsel vm10, $0xC, v5  }
0x99: {  	vm12 =	veq.f32 v11, v19;
	vm15 =	veq.f32 v10, v19;
	v5 =	vsel vm1, $0xB, v5  }
0x9a: {  	vm13 =	veq.f32 v8, v19;
	vm1 =	vmand vm9, vm12;
	v5 =	vsel vm2, $0xA, v5  }
0x9b: {  	vm14 =	veq.f32 v7, v19;
	vm2 =	vmand vm8, vm15;
	v5 =	vsel vm1, $0x9, v5  }
0x9c: {  	vm9 =	veq.f32 v4, v19;
	vm1 =	vmand vm7, vm13;
	v5 =	vsel vm2, $0x8, v5  }
0x9d: {  	vm15 =	veq.f32 v6, v19;
	vm2 =	vmand vm6, vm14;
	v4 =	vsel vm1, $0x7, v5  }
0x9e: {  	[tilespmem:$0x1FFD0] =	vst v21;
	vm10 =	veq.f32 v3, v19;
	vm1 =	vmand vm5, vm15;
	v3 =	vsel vm2, $0x6, v4  }
0x9f: {  	v12 =	vadd.f32 v19, v9;
	vm11 =	veq.f32 v2, v19;
	v2 =	vsel vm1, $0x5, v3;
	v3 =	vld [tilespmem:$0x1FFD0];
	_ =	sdelay $0x1  }
0xa0: {  	(erf) = vrcp.f32 v12;
	v5 =	vld [tilespmem:$0x1FFE0];
	_ =	sdelay $0x1  }
0xa1: {  	vm4 =	vne.s32 v18, $0x4  }
0xa2: {  	vm2 =	vmand vm4, vm9;
	vm1 =	vnez.u8 v3  }
0xa3: {  	vm3 =	vne.s32 v18, $0x2;
	v2 =	vsel vm2, $0x4, v2;
	vm1 =	vmand vm1, vm10  }
0xa4: {  	vm3 =	vmand vm3, vm11;
	v2 =	vsel vm1, $0x3, v2;
	vm1 =	vnez.u8 v5  }
0xa5: {  	vm0 =	vmand vm1, vm0;
	vm1 =	veq.f32 v1, v19;
	v1 =	vsel vm3, $0x2, v2;
	v2 =	vld [tilespmem:$0x1FFF0];
	_ =	sdelay $0x2  }
0xa6: {  	v3 =	vpop (erf)  }
0xa7: {  	v4 =	vmul.f32 v3, v9  }
0xa8: {  	s17 =	smov.u32 s15;
	v3 =	vmul.f32 v3, v19;
	vm2 =	vnez.u8 v2  }
0xa9: {  	s16 =	sadd.s32 $0x10, s16;
	s18 =	sshrl.u32 s17, $0x3;
	[tilespmem:s23+$0x4000] =	vst v4;
	v1 =	vsel vm0, $0x1, v1;
	vm1 =	vmand vm2, vm1  }
0xaa: {  	s17 =	sand.u32 $0x70, s16;
	s19 =	sshll.u32 s18, $0xA;
	[tilespmem:s23+$0x4080] =	vst v3;
	v1 =	vsel vm1, $0x0, v1  }
0xab: {  	s24 =	sadd.s32 s19, s16;
	s19 =	sor.u32 s17, s19;
	[tilespmem:s23+$0x4480] =	vst v1  }
0xac: {  	v1 =	vld [tilespmem:s19+$0x0]  }
0xad: {  	v2 =	vld [tilespmem:s19+$0x80]  }
0xae: {  	s22 =	sor.u32 $0x180, s24;
	v3 =	vld [tilespmem:s19+$0x100]  }
0xaf: {  	v4 =	vld [tilespmem:s22+$0x0]  }
0xb0: {  	v5 =	vld [tilespmem:s19+$0x200]  }
0xb1: {  	v6 =	vld [tilespmem:s19+$0x280]  }
0xb2: {  	s21 =	sor.u32 $0x380, s24;
	v7 =	vld [tilespmem:s19+$0x300];
	v8 =	vmax.f32 v1, v2  }
0xb3: {  	s28 =	sor.u32 $0x1000, s19;
	v9 =	vld [tilespmem:s21+$0x0];
	v8 =	vmax.f32 v8, v3  }
0xb4: {  	s31 =	sor.u32 $0x1080, s19;
	v10 =	vld [tilespmem:s28+$0x0];
	v8 =	vmax.f32 v8, v4  }
0xb5: {  	s29 =	sor.u32 $0x1100, s19;
	v11 =	vld [tilespmem:s31+$0x0];
	v8 =	vmax.f32 v8, v5  }
0xb6: {  	s20 =	sor.u32 $0x1180, s24;
	v12 =	vld [tilespmem:s29+$0x0];
	v8 =	vmax.f32 v8, v6  }
0xb7: {  	s30 =	sor.u32 $0x1200, s19;
	v13 =	vld [tilespmem:s20+$0x0];
	v8 =	vmax.f32 v8, v7  }
0xb8: {  	s26 =	sor.u32 $0x1280, s19;
	v14 =	vld [tilespmem:s30+$0x0];
	v8 =	vmax.f32 v8, v9  }
0xb9: {  	s25 =	sor.u32 $0x1300, s19;
	v15 =	vld [tilespmem:s26+$0x0];
	v8 =	vmax.f32 v8, v10  }
0xba: {  	v16 =	vld [tilespmem:s25+$0x0];
	s31 =	sor.u32 $0x1380, s24;
	v8 =	vmax.f32 v8, v11  }
0xbb: {  	v17 =	vld [tilespmem:s31+$0x0];
	v8 =	vmax.f32 v8, v12  }
0xbc: {  	v8 =	vmax.f32 v8, v13  }
0xbd: {  	v8 =	vmax.f32 v8, v14  }
0xbe: {  	v8 =	vmax.f32 v8, v15  }
0xbf: {  	v8 =	vmax.f32 v8, v16  }
0xc0: {  	v8 =	vmax.f32 v8, v17  }
0xc1: {  	v1 =	vsub.f32 v1, v8  }
0xc2: {  	v2 =	vsub.f32 v2, v8  }
0xc3: {  	v1 =	vmul.f32 $1.442695020e+00, v1  }
0xc4: {  	v3 =	vsub.f32 v3, v8;
	v2 =	vmul.f32 $1.442695020e+00, v2  }
0xc5: {  	v4 =	vsub.f32 v4, v8;
	v5 =	vsub.f32 v5, v8;
	(erf) = vpow2.f32 v1  }
0xc6: {  	v7 =	vsub.f32 v7, v8;
	v3 =	vmul.f32 $1.442695020e+00, v3;
	(erf) = vpow2.f32 v2  }
0xc7: {  	v6 =	vsub.f32 v6, v8;
	v4 =	vmul.f32 $1.442695020e+00, v4;
	v5 =	vmul.f32 $1.442695020e+00, v5  }
0xc8: {  	v2 =	vmul.f32 $1.442695020e+00, v7;
	v7 =	vsub.f32 v10, v8;
	(erf) = vpow2.f32 v3  }
0xc9: {  	v1 =	vmul.f32 $1.442695020e+00, v6;
	v6 =	vsub.f32 v9, v8;
	v9 =	vsub.f32 v11, v8  }
0xca: {  	v3 =	vmul.f32 $1.442695020e+00, v7;
	(erf) = vpow2.f32 v4  }
0xcb: {  	v7 =	vmul.f32 $1.442695020e+00, v9;
	v9 =	vsub.f32 v13, v8;
	v13 =	vsub.f32 v16, v8  }
0xcc: {  	(erf) = vpow2.f32 v5  }
0xcd: {  	v4 =	vmul.f32 $1.442695020e+00, v9;
	v9 =	vsub.f32 v15, v8  }
0xce: {  	v10 =	vsub.f32 v12, v8;
	v6 =	vmul.f32 $1.442695020e+00, v6;
	v12 =	vpop (erf);
	(erf) = vpow2.f32 v1  }
0xcf: {  	v5 =	vmul.f32 $1.442695020e+00, v9;
	v9 =	vmul.f32 $1.442695020e+00, v13;
	v13 =	vpop (erf)  }
0xd0: {  	(erf) = vpow2.f32 v2;
	v1 =	vadd.f32 v13, v12  }
0xd1: {  	v2 =	vpop (erf)  }
0xd2: {  	(erf) = vpow2.f32 v6;
	v1 =	vadd.f32 v1, v2  }
0xd3: {  	v6 =	vpop (erf)  }
0xd4: {  	(erf) = vpow2.f32 v3;
	v1 =	vadd.f32 v1, v6  }
0xd5: {  	v11 =	vsub.f32 v14, v8;
	v10 =	vmul.f32 $1.442695020e+00, v10;
	v14 =	vpop (erf)  }
0xd6: {  	(erf) = vpow2.f32 v7;
	v1 =	vadd.f32 v1, v14  }
0xd7: {  	v7 =	vpop (erf)  }
0xd8: {  	(erf) = vpow2.f32 v10;
	v1 =	vadd.f32 v1, v7  }
0xd9: {  	v11 =	vmul.f32 $1.442695020e+00, v11;
	v10 =	vpop (erf)  }
0xda: {  	(erf) = vpow2.f32 v4;
	v1 =	vadd.f32 v1, v10  }
0xdb: {  	v15 =	vpop (erf)  }
0xdc: {  	(erf) = vpow2.f32 v11;
	v1 =	vadd.f32 v1, v15  }
0xdd: {  	v11 =	vpop (erf)  }
0xde: {  	v8 =	vsub.f32 v17, v8;
	(erf) = vpow2.f32 v5;
	v1 =	vadd.f32 v1, v11  }
0xdf: {  	v16 =	vpop (erf)  }
0xe0: {  	v8 =	vmul.f32 $1.442695020e+00, v8;
	(erf) = vpow2.f32 v9;
	v1 =	vadd.f32 v1, v16  }
0xe1: {  	v9 =	vpop (erf)  }
0xe2: {  	(erf) = vpow2.f32 v8;
	v1 =	vadd.f32 v1, v9  }
0xe3: {  	v17 =	vpop (erf)  }
0xe4: {  	v1 =	vadd.f32 v1, v17  }
0xe5: {  	v18 =	vpop (erf)  }
0xe6: {  	v1 =	vadd.f32 v1, v18  }
0xe7: {  	v19 =	vpop (erf)  }
0xe8: {  	v1 =	vadd.f32 v1, v19  }
0xe9: {  	v20 =	vpop (erf)  }
0xea: {  	v1 =	vadd.f32 v1, v20  }
0xeb: {  	v21 =	vpop (erf)  }
0xec: {  	v1 =	vadd.f32 v1, v21;
	_ =	sdelay $0x1  }
0xed: {  	(erf) = vrcp.f32 v1;
	_ =	sdelay $0x8  }
0xee: {  	v22 =	vpop (erf)  }
0xef: {  	v1 =	vmul.f32 v22, v12;
	v5 =	vmul.f32 v22, v13  }
0xf0: {  	v2 =	vmul.f32 v22, v2  }
0xf1: {  	v3 =	vmul.f32 v22, v6;
	v23 =	vmax.f32 v1, v5  }
0xf2: {  	v4 =	vmul.f32 v22, v14;
	v8 =	vmax.f32 v23, v2  }
0xf3: {  	v6 =	vmul.f32 v22, v7;
	v8 =	vmax.f32 v8, v3  }
0xf4: {  	v7 =	vmul.f32 v22, v10;
	v10 =	vmax.f32 v8, v4  }
0xf5: {  	v8 =	vmul.f32 v22, v15;
	v12 =	vmax.f32 v10, v6  }
0xf6: {  	v10 =	vmul.f32 v22, v11;
	v12 =	vmax.f32 v12, v7  }
0xf7: {  	v11 =	vmul.f32 v22, v16;
	v13 =	vmax.f32 v12, v8  }
0xf8: {  	v12 =	vmul.f32 v22, v9;
	v9 =	vmax.f32 v13, v10  }
0xf9: {  	v13 =	vmul.f32 v22, v17;
	v9 =	vmax.f32 v9, v11  }
0xfa: {  	v14 =	vmul.f32 v22, v18;
	v9 =	vmax.f32 v9, v12  }
0xfb: {  	v15 =	vmul.f32 v22, v19;
	v9 =	vmax.f32 v9, v13  }
0xfc: {  	v16 =	vmul.f32 v22, v20;
	v9 =	vmax.f32 v9, v14  }
0xfd: {  	v17 =	vmul.f32 v22, v21;
	v9 =	vmax.f32 v9, v15  }
0xfe: {  	v9 =	vmax.f32 v9, v16  }
0xff: {  	v9 =	vmax.f32 v9, v17  }
0x100: {  	vm0 =	veq.f32 v17, v9  }
0x101: {  	v18 =	vsel vm0, $0xF, v0;
	vm0 =	veq.f32 v16, v9  }
0x102: {  	v18 =	vsel vm0, $0xE, v18;
	vm0 =	veq.f32 v15, v9  }
0x103: {  	v18 =	vsel vm0, $0xD, v18;
	vm0 =	veq.f32 v14, v9  }
0x104: {  	v18 =	vsel vm0, $0xC, v18;
	vm0 =	veq.f32 v13, v9  }
0x105: {  	v18 =	vsel vm0, $0xB, v18;
	vm0 =	veq.f32 v12, v9  }
0x106: {  	v18 =	vsel vm0, $0xA, v18;
	vm0 =	veq.f32 v11, v9  }
0x107: {  	vm1 =	veq.f32 v10, v9;
	v18 =	vsel vm0, $0x9, v18  }
0x108: {  	vm2 =	veq.f32 v8, v9;
	v18 =	vsel vm1, $0x8, v18  }
0x109: {  	vm3 =	veq.f32 v7, v9;
	v18 =	vsel vm2, $0x7, v18  }
0x10a: {  	vm4 =	veq.f32 v6, v9;
	v18 =	vsel vm3, $0x6, v18  }
0x10b: {  	vm12 =	veq.f32 v4, v9;
	v18 =	vsel vm4, $0x5, v18  }
0x10c: {  	vm13 =	veq.f32 v3, v9;
	v18 =	vsel vm12, $0x4, v18  }
0x10d: {  	vm14 =	veq.f32 v2, v9;
	v18 =	vsel vm13, $0x3, v18  }
0x10e: {  	vm15 =	veq.f32 v5, v9;
	v18 =	vsel vm14, $0x2, v18  }
0x10f: {  	vm0 =	veq.f32 v1, v9;
	v18 =	vsel vm15, $0x1, v18  }
0x110: {  	v18 =	vsel vm0, $0x0, v18  }
0x111: {  	vm0 =	veq.s32 v18, $0x1  }
0x112: {  	vm1 =	veq.s32 v18, $0x0;
	v19 =	vsel vm0, v1, v23  }
0x113: {  	v19 =	vsel vm1, v5, v19  }
0x114: {  	vm0 =	veq.s32 v18, $0x2;
	v19 =	vmax.f32 v19, v2  }
0x115: {  	[tilespmem:s19+$0x2000] =	vst v1;
	v20 =	vsel vm0, v23, v19  }
0x116: {  	[tilespmem:s19+$0x2100] =	vst v2;
	vm0 =	veq.s32 v18, $0x3;
	v20 =	vmax.f32 v20, v3  }
0x117: {  	[tilespmem:s19+$0x2080] =	vst v5;
	v19 =	vsel vm0, v19, v20  }
0x118: {  	[tilespmem:s22+$0x2000] =	vst v3;
	vm0 =	veq.s32 v18, $0x4;
	v19 =	vmax.f32 v19, v4  }
0x119: {  	[tilespmem:s19+$0x2200] =	vst v4;
	v20 =	vsel vm0, v20, v19  }
0x11a: {  	[tilespmem:s19+$0x2300] =	vst v7;
	vm0 =	veq.s32 v18, $0x5;
	v20 =	vmax.f32 v20, v6  }
0x11b: {  	[tilespmem:s19+$0x2280] =	vst v6;
	v19 =	vsel vm0, v19, v20  }
0x11c: {  	[tilespmem:s21+$0x2000] =	vst v8;
	vm0 =	veq.s32 v18, $0x6;
	v19 =	vmax.f32 v19, v7  }
0x11d: {  	[tilespmem:s19+$0x3080] =	vst v11;
	v20 =	vsel vm0, v20, v19  }
0x11e: {  	[tilespmem:s19+$0x3000] =	vst v10;
	vm0 =	veq.s32 v18, $0x7;
	v20 =	vmax.f32 v20, v8  }
0x11f: {  	[tilespmem:s19+$0x3100] =	vst v12;
	v19 =	vsel vm0, v19, v20  }
0x120: {  	p0 =	sne.s32 s15, $0x1F;
	[tilespmem:s20+$0x2000] =	vst v13;
	vm0 =	veq.s32 v18, $0x8;
	v19 =	vmax.f32 v19, v10  }
.Ltmp0:
0x121: {  	[tilespmem:s19+$0x3200] =	vst v14;
	v20 =	vsel vm0, v20, v19;
	(pc) =	sbr.rel @p0 .LBB2_2-.Ltmp0, $4  }
0x122: {  	[tilespmem:s19+$0x3300] =	vst v16;
	vm0 =	veq.s32 v18, $0x9;
	v20 =	vmax.f32 v20, v11  }
0x123: {  	s18 =	sshll.u32 s18, $0x8;
	[tilespmem:s19+$0x3280] =	vst v15;
	v19 =	vsel vm0, v19, v20  }
0x124: {  	s23 =	sor.u32 s17, s18;
	[tilespmem:s31+$0x2000] =	vst v17;
	vm0 =	veq.s32 v18, $0xA;
	v19 =	vmax.f32 v19, v12  }
0x125: {  	s15 =	sadd.s32 $0x1, s15;
	vm2 =	veq.s32 v18, $0xB;
	[tilespmem:s23+$0x4400] =	vst v18;
	v20 =	vsel vm0, v20, v19  }
0x126: {  	v20 =	vmax.f32 v20, v13  }
0x127: {  	v19 =	vsel vm2, v19, v20  }
0x128: {  	vm0 =	veq.s32 v18, $0xC;
	v19 =	vmax.f32 v19, v14  }
0x129: {  	v20 =	vsel vm0, v20, v19  }
0x12a: {  	vm10 =	veq.s32 v18, $0xD;
	v20 =	vmax.f32 v20, v15  }
0x12b: {  	v19 =	vsel vm10, v19, v20  }
0x12c: {  	vm11 =	veq.s32 v18, $0xE;
	v19 =	vmax.f32 v19, v16  }
0x12d: {  	vm12 =	veq.s32 v18, $0xF;
	vm1 =	vne.s32 v18, $0xF;
	v20 =	vsel vm11, v20, v19  }
0x12e: {  	vm3 =	vne.s32 v18, $0xC;
	vm14 =	vne.s32 v18, $0xE;
	v20 =	vmax.f32 v20, v17  }
0x12f: {  	vm15 =	vne.s32 v18, $0xD;
	vm0 =	vne.s32 v18, $0x3;
	v19 =	vsel vm12, v19, v20  }
0x130: {  	vm10 =	vne.s32 v18, $0xB;
	vm12 =	vne.s32 v18, $0xA;
	vm13 =	veq.f32 v17, v19  }
0x131: {  	vm4 =	veq.f32 v16, v19;
	vm8 =	veq.f32 v15, v19;
	vm9 =	veq.f32 v14, v19  }
0x132: {  	vm11 =	veq.f32 v13, v19;
	v57 =	vadd.f32 v19, v9;
	vm7 =	veq.f32 v11, v19  }
0x133: {  	vm1 =	vmand vm1, vm13;
	vm2 =	vmand vm14, vm4;
	vm13 =	veq.f32 v12, v19  }
0x134: {  	vm14 =	vne.s32 v18, $0x9;
	v54 =	vsel vm1, $0xF, v0;
	vm1 =	vmand vm15, vm8  }
0x135: {  	vm15 =	vne.s32 v18, $0x8;
	(erf) = vrcp.f32 v57;
	v55 =	vsel vm2, $0xE, v54  }
0x136: {  	vm8 =	veq.f32 v10, v19;
	vm2 =	vmand vm3, vm9;
	v56 =	vsel vm1, $0xD, v55  }
0x137: {  	vm3 =	vmand vm10, vm11;
	vm9 =	vne.s32 v18, $0x7;
	v13 =	vsel vm2, $0xC, v56  }
0x138: {  	vm10 =	veq.f32 v8, v19;
	vm1 =	vmand vm12, vm13;
	v58 =	vsel vm3, $0xB, v13  }
0x139: {  	vm11 =	vne.s32 v18, $0x6;
	vm2 =	vmand vm14, vm7;
	v59 =	vsel vm1, $0xA, v58  }
0x13a: {  	vm12 =	vne.s32 v18, $0x5;
	vm3 =	vmand vm15, vm8;
	v60 =	vsel vm2, $0x9, v59  }
0x13b: {  	vm13 =	veq.f32 v7, v19;
	vm1 =	vmand vm9, vm10;
	v8 =	vsel vm3, $0x8, v60  }
0x13c: {  	vm14 =	veq.f32 v6, v19;
	vm2 =	vmand vm11, vm13;
	v61 =	vsel vm1, $0x7, v8  }
0x13d: {  	vm15 =	vne.s32 v18, $0x4;
	vm3 =	vmand vm12, vm14;
	v62 =	vsel vm2, $0x6, v61  }
0x13e: {  	vm8 =	veq.f32 v4, v19;
	vm10 =	veq.f32 v3, v19;
	v3 =	vsel vm3, $0x5, v62  }
0x13f: {  	vm9 =	vne.s32 v18, $0x2;
	vm11 =	veq.f32 v2, v19;
	vm0 =	vmand vm0, vm10  }
0x140: {  	vm13 =	veq.f32 v5, v19;
	vm12 =	vne.s32 v18, $0x1;
	vm1 =	vmand vm15, vm8  }
0x141: {  	vm14 =	vne.s32 v18, $0x0;
	vm15 =	veq.f32 v1, v19;
	v2 =	vsel vm1, $0x4, v3;
	v3 =	vpop (erf)  }
0x142: {  	vm2 =	vmand vm9, vm11;
	v2 =	vsel vm0, $0x3, v2;
	v63 =	vmul.f32 v3, v9  }
0x143: {  	vm0 =	vmand vm12, vm13;
	v2 =	vsel vm2, $0x2, v2;
	v3 =	vmul.f32 v3, v19  }
0x144: {  	vm1 =	vmand vm14, vm15;
	v1 =	vsel vm0, $0x1, v2;
	[tilespmem:s23+$0x4000] =	vst v63  }
0x145: {  	v1 =	vsel vm1, $0x0, v1;
	[tilespmem:s23+$0x4080] =	vst v3  }
0x146: {  	[tilespmem:s23+$0x4480] =	vst v1  }
0x147: {  	[hbm4b:s4+s8] =	stream.strided.scatter [tilespmem:s11], [sflag:$0x1], $0x2000, s9, s8, $0x38;
	[tilespmem:$0x4800] =	vst v63  }
0x148: {  	_ =	swait.ge [sflag:s10], $0x2000  }
0x149: {  	[sflag:s10] =	ssyncset.done $0x0  }
0x14a: {  	[sflag:s10] =	ssyncadd.s32 $0xFFFFE000  }
0x14b: {  	[hbm4b:s5+s2] =	stream.linear.scatter [tilespmem:s12], [sflag:$0x1], $0x400, $0x38;
	[tilespmem:$0x4800] =	vst v63  }
0x14c: {  	s14 =	sadd.s32 $0x1, s14;
	_ =	swait.ge [sflag:s10], $0x400  }
0x14d: {  	p0 =	sne.s32 s14, s7;
	[sflag:s10] =	ssyncset.done $0x0  }
.Ltmp1:
0x14e: {  	[sflag:s10] =	ssyncadd.s32 $0xFFFFFC00;
	(pc) =	sbr.rel @p0 .LBB2_1-.Ltmp1, $4  }
0x14f: {  	[hbm4b:s6+s2] =	stream.linear.scatter [tilespmem:s13], [sflag:$0x1], $0x400, $0x38;
	[tilespmem:$0x4800] =	vst v63  }
0x150: {  	_ =	swait.ge [sflag:s10], $0x400  }
0x151: {  	[sflag:s10] =	ssyncset.done $0x0  }
0x152: {  	[sflag:s10] =	ssyncadd.s32 $0xFFFFFC00  }
0x153: {  	_ =	sfence.sel $0x180000  }
0x154: {  	[bflag:$0x0] =	sbarrier.arrive $0xFFFF  }
0x155: {  	p0 =	sne.s32 s1, $0x0;
	_ =	strace $0x90000047  }
0x156: {  	s0 =	sadd.s32 @!p0 $0x100000, s0;
	[bflag:$0x2] =	sbarrier.arrive $0xFFFF  }
0x157: {  	[sflag:s0] =	ssyncadd.tile.s32 @!p0 $0x1;
	_ =	shalt  }
.Lfunc_end2:
_tile_overlayer_lowered:
.L_overlay_start_2:
0x158: {  	(tag) =	ssettag $0x2  }
0x159: {  	s0 =	rddreg [dreg:$0x0];
	s2 =	stileid.u32  }
0x15a: {  	s1 =	rddreg [dreg:$0x1];
	p0 =	sne.s32 s2, $0x0  }
0x15b: {  	s3 =	rddreg [dreg:$0x2];
	[bflag:$0x3] =	sbarrier.arrive $0xFFFF;
	s2 =	simm.s32 @!p0 $0x1C01  }
0x15c: {  	[timem:s3], [sflag:s2] =	dma.local @!p0 [hbm:s0], s1  }
0x15d: {  	s0 =	simm.s32 @!p0 $0x1  }
0x15e: {  	_ =	swait.ge @!p0 [sflag:s0], s1  }
0x15f: {  	s1 =	ssub.s32 @!p0 $0x0, s1;
	[sflag:s0] =	ssyncset.done @!p0 $0x0  }
0x160: {  	[sflag:s0] =	ssyncadd.s32 @!p0 s1  }
0x161: {  	[bflag:$0x3] =	sbarrier.arrive $0xFFFF  }
0x162: {  	_ =	shalt  }

</sc_bundles>
